<compile_context>
chip_gen: v7x
topology: tpu7x:2x2x1
jax: 0.10.2.dev20260603
libtpu: 0.0.44.dev20260713+nightly
codegen_flags: <defaults>
</compile_context>

<pallas_src>
import functools

import numpy as np
import jax
import jax.numpy as jnp
from jax import lax
from jax.experimental import pallas as pl
from jax.experimental.pallas import tpu as pltpu
from jax.experimental.pallas import tpu_sc as plsc

_B, _L, _V, _D = 4096, 200, 100000, 64
_DP = 128
_NC, _NS, _LANES = 2, 16, 16
_NW = _NC * _NS
_BPW = _B // _NW
_LA, _LB = 104, 96
_RUNROLL = 8


def _pos_encoding():
    position = np.arange(_L, dtype=np.float32)[:, None]
    div_term = np.exp(
        np.arange(0, _D, 2, dtype=np.float32) * (-np.log(10000.0) / _D)
    ).astype(np.float32)
    pe = np.zeros((_L, _D), np.float32)
    pe[:, 0::2] = np.sin(position * div_term)
    pe[:, 1::2] = np.cos(position * div_term)
    return jnp.asarray(pe)


def _body(pos_hbm, tokens_hbm, table_hbm, out_hbm,
          pos_v, idx_v, rows0, rows1, o0, o1, gsem0, gsem1, osem0, osem1):
    wid = lax.axis_index("s") * _NC + lax.axis_index("c")
    base = wid * _BPW
    pltpu.sync_copy(tokens_hbm.at[pl.ds(base, _BPW)], idx_v)
    pltpu.sync_copy(pos_hbm, pos_v)

    rows = (rows0, rows1)
    outs = (o0, o1)
    gsem = (gsem0, gsem1)
    osem = (osem0, osem1)

    def fire_gather(i, s):
        pltpu.async_copy(
            table_hbm.at[idx_v.at[i, pl.ds(0, _LA)]],
            rows[s].at[pl.ds(0, _LA)], gsem[s]
        )
        pltpu.async_copy(
            table_hbm.at[idx_v.at[i, pl.ds(_LA, _LB)]],
            rows[s].at[pl.ds(_LA, _LB)], gsem[s]
        )

    def wait_gather(s):
        pltpu.make_async_copy(
            table_hbm.at[idx_v.at[0, pl.ds(0, _LA)]],
            rows[s].at[pl.ds(0, _LA)], gsem[s]
        ).wait()
        pltpu.make_async_copy(
            table_hbm.at[idx_v.at[0, pl.ds(_LA, _LB)]],
            rows[s].at[pl.ds(_LA, _LB)], gsem[s]
        ).wait()

    def fire_out(i, s):
        pltpu.async_copy(
            outs[s],
            out_hbm.at[pl.ds((base + i) * _L, _L), pl.ds(0, _D)],
            osem[s],
        )

    def wait_out(s):
        pltpu.make_async_copy(
            outs[s],
            out_hbm.at[pl.ds(base * _L, _L), pl.ds(0, _D)],
            osem[s],
        ).wait()

    fire_gather(0, 0)

    def step(ko, carry):
        for s in range(2):
            i = 2 * ko + s
            n = 1 - s

            @pl.when(i < _BPW - 1)
            def _():
                fire_gather(i + 1, n)

            wait_gather(s)

            r_v = rows[s]
            w_v = outs[s]

            @pl.when(i > 1)
            def _():
                wait_out(s)

            def add_rows(ro, c):
                r0 = ro * _RUNROLL
                for rr in range(_RUNROLL):
                    for j in range(_D // _LANES):
                        sl = pl.ds(j * _LANES, _LANES)
                        w_v[r0 + rr, sl] = r_v[r0 + rr, sl] + pos_v[r0 + rr, sl]
                return c

            lax.fori_loop(0, _L // _RUNROLL, add_rows, 0)
            fire_out(i, s)
        return carry

    lax.fori_loop(0, _BPW // 2, step, 0)
    wait_out(0)
    wait_out(1)


@functools.partial(jax.jit, static_argnums=())
def kernel(tokens, table):
    pos = _pos_encoding()
    mesh = plsc.VectorSubcoreMesh(core_axis_name="c", subcore_axis_name="s")
    run = pl.kernel(
        _body,
        out_type=jax.ShapeDtypeStruct((_B * _L, _DP), jnp.float32),
        mesh=mesh,
        scratch_types=[
            pltpu.VMEM((_L, _D), jnp.float32),
            pltpu.VMEM((_BPW, _L), jnp.int32),
            pltpu.VMEM((_L, _D), jnp.float32),
            pltpu.VMEM((_L, _D), jnp.float32),
            pltpu.VMEM((_L, _D), jnp.float32),
            pltpu.VMEM((_L, _D), jnp.float32),
            pltpu.SemaphoreType.DMA,
            pltpu.SemaphoreType.DMA,
            pltpu.SemaphoreType.DMA,
            pltpu.SemaphoreType.DMA,
        ],
        compiler_params=pltpu.CompilerParams(use_tc_tiling_on_sc=False),
    )
    out_p = run(pos, tokens, table)
    return out_p[:, :_D].reshape(_B, _L, _D)

# --- scband reference (transcript-rebuilt; emitter-appended) ---
"""Pipeline reference for scband-sentence-embedding-68693706932801 (READ-ONLY COPY).

The authoritative reference and input builder live on the scoring server;
editing this copy changes nothing except your own understanding.
"""

import jax, jax.numpy as jnp
import numpy as np

B, L, V, D = 4096, 200, 100000, 64


def _positional_encoding(seq_len, d_model):
    position = jnp.arange(seq_len, dtype=jnp.float32)[:, None]
    div_term = jnp.exp(jnp.arange(0, d_model, 2, dtype=jnp.float32) * (-np.log(10000.0) / d_model))
    pe = jnp.zeros((seq_len, d_model), dtype=jnp.float32)
    pe = pe.at[:, 0::2].set(jnp.sin(position * div_term))
    pe = pe.at[:, 1::2].set(jnp.cos(position * div_term))
    return pe


def setup_inputs(seed: int = 0) -> dict:
    key = jax.random.key(seed)
    tokens = jax.random.randint(jax.random.fold_in(key, 1), (B, L), 0, V, dtype=jnp.int32)
    table = jax.random.normal(jax.random.fold_in(key, 2), (V, D), dtype=jnp.float32)
    return {"tokens": tokens, "table": table}


def reference(tokens, table):
    # batch_tokenize is modeled as pre-tokenized integer ids (start/end/pad already applied).
    seq_len = tokens.shape[1]
    d_model = table.shape[1]
    emb = jnp.take(table, tokens, axis=0)          # embedding gather [B, L, D]
    pos = _positional_encoding(seq_len, d_model)    # [L, D]
    out = emb + pos[None, :, :]
    # dropout is identity in eval mode (module's dropout attr is undefined; treated as eval/no-op)
    return out

if __name__ == "__main__":
    import jax
    _d = setup_inputs()
    print(jax.jit(kernel)(*tuple(_d.values())))

</pallas_src>

<mosaic_0001>
#map = affine_map<(d0, d1) -> (0, 0)>
module attributes {stable_mosaic.version = 14 : i64} {
  func.func @_body(%arg0: i32, %arg1: i32, %arg2: memref<200x64xf32, #tpu.memory_space<hbm>>, %arg3: memref<4096x200xi32, #tpu.memory_space<hbm>>, %arg4: memref<100000x64xf32, #tpu.memory_space<hbm>>, %arg5: memref<819200x128xf32, #tpu.memory_space<hbm>>, %arg6: memref<200x64xf32, #tpu.memory_space<vmem>>, %arg7: memref<128x200xi32, #tpu.memory_space<vmem>>, %arg8: memref<200x64xf32, #tpu.memory_space<vmem>>, %arg9: memref<200x64xf32, #tpu.memory_space<vmem>>, %arg10: memref<200x64xf32, #tpu.memory_space<vmem>>, %arg11: memref<200x64xf32, #tpu.memory_space<vmem>>, %arg12: memref<!tpu.dma_semaphore, #tpu.memory_space<semaphore_mem>>, %arg13: memref<!tpu.dma_semaphore, #tpu.memory_space<semaphore_mem>>, %arg14: memref<!tpu.dma_semaphore, #tpu.memory_space<semaphore_mem>>, %arg15: memref<!tpu.dma_semaphore, #tpu.memory_space<semaphore_mem>>) attributes {dimension_semantics = [#tpu.dimension_semantics<core_parallel>, #tpu.dimension_semantics<subcore_parallel>], iteration_bounds = array<i64: 2, 16>, scalar_prefetch = 0 : i64, scratch_operands = 10 : i64, tpu.core_type = #tpu.core_type<sc_vector_subcore>, window_params = [{transform_indices = #map}, {transform_indices = #map}, {transform_indices = #map}, {transform_indices = #map}]} {
    %mul3A = arith.constant 2 : i32
    %mul3A_0 = arith.muli %arg1, %mul3A : i32
    %add3A = arith.addi %mul3A_0, %arg0 : i32
    %mul3A_1 = arith.constant 128 : i32
    %mul3A_2 = arith.muli %add3A, %mul3A_1 : i32
    "tpu.region"() ({
      %run_scoped3A = tpu.sem_alloc : memref<!tpu.dma_semaphore, #tpu.memory_space<semaphore_mem>>
      %dma_start3A_38 = arith.constant 0 : i32
      %dma_start3A_39 = tpu.memref_slice %arg3[%mul3A_2, %dma_start3A_38] : memref<4096x200xi32, #tpu.memory_space<hbm>> -> memref<128x200xi32, #tpu.memory_space<hbm>>
      %dma_start3A_40 = arith.constant 0 : i32
      %dma_start3A_41 = tpu.memref_slice %arg3[%mul3A_2, %dma_start3A_40] : memref<4096x200xi32, #tpu.memory_space<hbm>> -> memref<128x200xi32, #tpu.memory_space<hbm>>
      tpu.enqueue_dma source(%dma_start3A_41 : memref<128x200xi32, #tpu.memory_space<hbm>>) target(%arg7 : memref<128x200xi32, #tpu.memory_space<vmem>>) target_semaphore(%run_scoped3A : memref<!tpu.dma_semaphore, #tpu.memory_space<semaphore_mem>>)
      %dma_wait3A_42 = arith.constant 0 : i32
      %dma_wait3A_43 = tpu.memref_slice %arg3[%mul3A_2, %dma_wait3A_42] : memref<4096x200xi32, #tpu.memory_space<hbm>> -> memref<128x200xi32, #tpu.memory_space<hbm>>
      %dma_wait3A_44 = arith.constant 0 : i32
      %dma_wait3A_45 = tpu.memref_slice %arg3[%mul3A_2, %dma_wait3A_44] : memref<4096x200xi32, #tpu.memory_space<hbm>> -> memref<128x200xi32, #tpu.memory_space<hbm>>
      tpu.wait_dma2 semaphore(%run_scoped3A : memref<!tpu.dma_semaphore, #tpu.memory_space<semaphore_mem>>) src(%dma_wait3A_45 : memref<128x200xi32, #tpu.memory_space<hbm>>) dst(%arg7 : memref<128x200xi32, #tpu.memory_space<vmem>>)
      tpu.yield
    }) : () -> ()
    "tpu.region"() ({
      %run_scoped3A = tpu.sem_alloc : memref<!tpu.dma_semaphore, #tpu.memory_space<semaphore_mem>>
      tpu.enqueue_dma source(%arg2 : memref<200x64xf32, #tpu.memory_space<hbm>>) target(%arg6 : memref<200x64xf32, #tpu.memory_space<vmem>>) target_semaphore(%run_scoped3A : memref<!tpu.dma_semaphore, #tpu.memory_space<semaphore_mem>>)
      tpu.wait_dma2 semaphore(%run_scoped3A : memref<!tpu.dma_semaphore, #tpu.memory_space<semaphore_mem>>) src(%arg2 : memref<200x64xf32, #tpu.memory_space<hbm>>) dst(%arg6 : memref<200x64xf32, #tpu.memory_space<vmem>>)
      tpu.yield
    }) : () -> ()
    %dma_start3A = arith.constant 0 : i32
    %dma_start3A_3 = arith.constant 0 : i32
    %dma_start3A_4 = arith.constant 0 : i32
    %dma_start3A_5 = tpu.memref_slice %arg8[%dma_start3A_3, %dma_start3A_4] : memref<200x64xf32, #tpu.memory_space<vmem>> -> memref<104x64xf32, #tpu.memory_space<vmem>>
    %dma_start3A_6 = arith.constant 0 : i32
    %dma_start3A_7 = tpu.memref_slice %arg7[%dma_start3A, %dma_start3A_6] : memref<128x200xi32, #tpu.memory_space<vmem>> -> memref<1x104xi32, #tpu.memory_space<vmem>>
    %dma_start3A_8 = tpu.memref_squeeze %dma_start3A_7 : memref<1x104xi32, #tpu.memory_space<vmem>> -> memref<104xi32, #tpu.memory_space<vmem>>
    %dma_start3A_9 = arith.constant 0 : i32
    %dma_start3A_10 = arith.constant 0 : i32
    %dma_start3A_11 = tpu.memref_slice %arg4[%dma_start3A_9, %dma_start3A_10] : memref<100000x64xf32, #tpu.memory_space<hbm>> -> memref<100000x64xf32, #tpu.memory_space<hbm>>
    tpu.enqueue_indirect_dma source(%dma_start3A_11 : memref<100000x64xf32, #tpu.memory_space<hbm>>) target(%dma_start3A_5 : memref<104x64xf32, #tpu.memory_space<vmem>>) offsets(%dma_start3A_8 : memref<104xi32, #tpu.memory_space<vmem>>) semaphore(%arg12 : memref<!tpu.dma_semaphore, #tpu.memory_space<semaphore_mem>>)
    %dma_start3A_12 = arith.constant 0 : i32
    %dma_start3A_13 = arith.constant 104 : i32
    %dma_start3A_14 = arith.constant 0 : i32
    %dma_start3A_15 = tpu.memref_slice %arg8[%dma_start3A_13, %dma_start3A_14] : memref<200x64xf32, #tpu.memory_space<vmem>> -> memref<96x64xf32, #tpu.memory_space<vmem>>
    %dma_start3A_16 = arith.constant 104 : i32
    %dma_start3A_17 = tpu.memref_slice %arg7[%dma_start3A_12, %dma_start3A_16] : memref<128x200xi32, #tpu.memory_space<vmem>> -> memref<1x96xi32, #tpu.memory_space<vmem>>
    %dma_start3A_18 = tpu.memref_squeeze %dma_start3A_17 : memref<1x96xi32, #tpu.memory_space<vmem>> -> memref<96xi32, #tpu.memory_space<vmem>>
    %dma_start3A_19 = arith.constant 0 : i32
    %dma_start3A_20 = arith.constant 0 : i32
    %dma_start3A_21 = tpu.memref_slice %arg4[%dma_start3A_19, %dma_start3A_20] : memref<100000x64xf32, #tpu.memory_space<hbm>> -> memref<100000x64xf32, #tpu.memory_space<hbm>>
    tpu.enqueue_indirect_dma source(%dma_start3A_21 : memref<100000x64xf32, #tpu.memory_space<hbm>>) target(%dma_start3A_15 : memref<96x64xf32, #tpu.memory_space<vmem>>) offsets(%dma_start3A_18 : memref<96xi32, #tpu.memory_space<vmem>>) semaphore(%arg12 : memref<!tpu.dma_semaphore, #tpu.memory_space<semaphore_mem>>)
    %scan3A = arith.constant 0 : i32
    %scan3A_22 = arith.constant 0 : i32
    %scan3A_23 = arith.constant 64 : i32
    %scan3A_24 = arith.addi %scan3A_22, %scan3A_23 : i32
    %scan3A_25 = arith.constant 1 : i32
    scf.for %scan3A_38 = %scan3A_22 to %scan3A_24 step %scan3A_25  : i32 {
      %mul3A_39 = arith.constant 2 : i32
      %mul3A_40 = arith.muli %mul3A_39, %scan3A_38 : i32
      %add3A_41 = arith.constant 0 : i32
      %add3A_42 = arith.addi %mul3A_40, %add3A_41 : i32
      %lt3A = arith.constant 127 : i32
      %lt3A_43 = arith.cmpi slt, %add3A_42, %lt3A : i32
      %convert_element_type3A = arith.extui %lt3A_43 : i1 to i32
      %cond3A = arith.constant 0 : i32
      %cond3A_44 = arith.cmpi ne, %convert_element_type3A, %cond3A : i32
      scf.if %cond3A_44 {
        %add3A_129 = arith.constant 1 : i32
        %add3A_130 = arith.addi %add3A_42, %add3A_129 : i32
        %dma_start3A_131 = arith.constant 0 : i32
        %dma_start3A_132 = arith.constant 0 : i32
        %dma_start3A_133 = tpu.memref_slice %arg9[%dma_start3A_131, %dma_start3A_132] : memref<200x64xf32, #tpu.memory_space<vmem>> -> memref<104x64xf32, #tpu.memory_space<vmem>>
        %dma_start3A_134 = arith.constant 0 : i32
        %dma_start3A_135 = tpu.memref_slice %arg7[%add3A_130, %dma_start3A_134] : memref<128x200xi32, #tpu.memory_space<vmem>> -> memref<1x104xi32, #tpu.memory_space<vmem>>
        %dma_start3A_136 = tpu.memref_squeeze %dma_start3A_135 : memref<1x104xi32, #tpu.memory_space<vmem>> -> memref<104xi32, #tpu.memory_space<vmem>>
        %dma_start3A_137 = arith.constant 0 : i32
        %dma_start3A_138 = arith.constant 0 : i32
        %dma_start3A_139 = tpu.memref_slice %arg4[%dma_start3A_137, %dma_start3A_138] : memref<100000x64xf32, #tpu.memory_space<hbm>> -> memref<100000x64xf32, #tpu.memory_space<hbm>>
        tpu.enqueue_indirect_dma source(%dma_start3A_139 : memref<100000x64xf32, #tpu.memory_space<hbm>>) target(%dma_start3A_133 : memref<104x64xf32, #tpu.memory_space<vmem>>) offsets(%dma_start3A_136 : memref<104xi32, #tpu.memory_space<vmem>>) semaphore(%arg13 : memref<!tpu.dma_semaphore, #tpu.memory_space<semaphore_mem>>)
        %dma_start3A_140 = arith.constant 104 : i32
        %dma_start3A_141 = arith.constant 0 : i32
        %dma_start3A_142 = tpu.memref_slice %arg9[%dma_start3A_140, %dma_start3A_141] : memref<200x64xf32, #tpu.memory_space<vmem>> -> memref<96x64xf32, #tpu.memory_space<vmem>>
        %dma_start3A_143 = arith.constant 104 : i32
        %dma_start3A_144 = tpu.memref_slice %arg7[%add3A_130, %dma_start3A_143] : memref<128x200xi32, #tpu.memory_space<vmem>> -> memref<1x96xi32, #tpu.memory_space<vmem>>
        %dma_start3A_145 = tpu.memref_squeeze %dma_start3A_144 : memref<1x96xi32, #tpu.memory_space<vmem>> -> memref<96xi32, #tpu.memory_space<vmem>>
        %dma_start3A_146 = arith.constant 0 : i32
        %dma_start3A_147 = arith.constant 0 : i32
        %dma_start3A_148 = tpu.memref_slice %arg4[%dma_start3A_146, %dma_start3A_147] : memref<100000x64xf32, #tpu.memory_space<hbm>> -> memref<100000x64xf32, #tpu.memory_space<hbm>>
        tpu.enqueue_indirect_dma source(%dma_start3A_148 : memref<100000x64xf32, #tpu.memory_space<hbm>>) target(%dma_start3A_142 : memref<96x64xf32, #tpu.memory_space<vmem>>) offsets(%dma_start3A_145 : memref<96xi32, #tpu.memory_space<vmem>>) semaphore(%arg13 : memref<!tpu.dma_semaphore, #tpu.memory_space<semaphore_mem>>)
      } else {
      }
      %dma_wait3A_45 = arith.constant 0 : i32
      %dma_wait3A_46 = arith.constant 0 : i32
      %dma_wait3A_47 = arith.constant 0 : i32
      %dma_wait3A_48 = tpu.memref_slice %arg8[%dma_wait3A_46, %dma_wait3A_47] : memref<200x64xf32, #tpu.memory_space<vmem>> -> memref<104x64xf32, #tpu.memory_space<vmem>>
      %dma_wait3A_49 = arith.constant 0 : i32
      %dma_wait3A_50 = tpu.memref_slice %arg7[%dma_wait3A_45, %dma_wait3A_49] : memref<128x200xi32, #tpu.memory_space<vmem>> -> memref<1x104xi32, #tpu.memory_space<vmem>>
      %dma_wait3A_51 = tpu.memref_squeeze %dma_wait3A_50 : memref<1x104xi32, #tpu.memory_space<vmem>> -> memref<104xi32, #tpu.memory_space<vmem>>
      %dma_wait3A_52 = arith.constant 0 : i32
      %dma_wait3A_53 = arith.constant 0 : i32
      %dma_wait3A_54 = tpu.memref_slice %arg4[%dma_wait3A_52, %dma_wait3A_53] : memref<100000x64xf32, #tpu.memory_space<hbm>> -> memref<100000x64xf32, #tpu.memory_space<hbm>>
      tpu.wait_indirect_dma semaphore(%arg12 : memref<!tpu.dma_semaphore, #tpu.memory_space<semaphore_mem>>) src(%dma_wait3A_54 : memref<100000x64xf32, #tpu.memory_space<hbm>>) dst(%dma_wait3A_48 : memref<104x64xf32, #tpu.memory_space<vmem>>)
      %dma_wait3A_55 = arith.constant 0 : i32
      %dma_wait3A_56 = arith.constant 104 : i32
      %dma_wait3A_57 = arith.constant 0 : i32
      %dma_wait3A_58 = tpu.memref_slice %arg8[%dma_wait3A_56, %dma_wait3A_57] : memref<200x64xf32, #tpu.memory_space<vmem>> -> memref<96x64xf32, #tpu.memory_space<vmem>>
      %dma_wait3A_59 = arith.constant 104 : i32
      %dma_wait3A_60 = tpu.memref_slice %arg7[%dma_wait3A_55, %dma_wait3A_59] : memref<128x200xi32, #tpu.memory_space<vmem>> -> memref<1x96xi32, #tpu.memory_space<vmem>>
      %dma_wait3A_61 = tpu.memref_squeeze %dma_wait3A_60 : memref<1x96xi32, #tpu.memory_space<vmem>> -> memref<96xi32, #tpu.memory_space<vmem>>
      %dma_wait3A_62 = arith.constant 0 : i32
      %dma_wait3A_63 = arith.constant 0 : i32
      %dma_wait3A_64 = tpu.memref_slice %arg4[%dma_wait3A_62, %dma_wait3A_63] : memref<100000x64xf32, #tpu.memory_space<hbm>> -> memref<100000x64xf32, #tpu.memory_space<hbm>>
      tpu.wait_indirect_dma semaphore(%arg12 : memref<!tpu.dma_semaphore, #tpu.memory_space<semaphore_mem>>) src(%dma_wait3A_64 : memref<100000x64xf32, #tpu.memory_space<hbm>>) dst(%dma_wait3A_58 : memref<96x64xf32, #tpu.memory_space<vmem>>)
      %gt3A = arith.constant 1 : i32
      %gt3A_65 = arith.cmpi sgt, %add3A_42, %gt3A : i32
      %convert_element_type3A_66 = arith.extui %gt3A_65 : i1 to i32
      %cond3A_67 = arith.constant 0 : i32
      %cond3A_68 = arith.cmpi ne, %convert_element_type3A_66, %cond3A_67 : i32
      scf.if %cond3A_68 {
        %mul3A_129 = arith.constant 200 : i32
        %mul3A_130 = arith.muli %mul3A_2, %mul3A_129 : i32
        %dma_wait3A_131 = arith.constant 0 : i32
        %dma_wait3A_132 = tpu.memref_slice %arg5[%mul3A_130, %dma_wait3A_131] : memref<819200x128xf32, #tpu.memory_space<hbm>> -> memref<200x64xf32, #tpu.memory_space<hbm>>
        %dma_wait3A_133 = arith.constant 0 : i32
        %dma_wait3A_134 = tpu.memref_slice %arg5[%mul3A_130, %dma_wait3A_133] : memref<819200x128xf32, #tpu.memory_space<hbm>> -> memref<200x64xf32, #tpu.memory_space<hbm>>
        tpu.wait_dma2 semaphore(%arg14 : memref<!tpu.dma_semaphore, #tpu.memory_space<semaphore_mem>>) src(%arg10 : memref<200x64xf32, #tpu.memory_space<vmem>>) dst(%dma_wait3A_134 : memref<200x64xf32, #tpu.memory_space<hbm>>)
      } else {
      }
      %scan3A_69 = arith.constant 0 : i32
      %scan3A_70 = arith.constant 0 : i32
      %scan3A_71 = arith.constant 25 : i32
      %scan3A_72 = arith.addi %scan3A_70, %scan3A_71 : i32
      %scan3A_73 = arith.constant 1 : i32
      scf.for %scan3A_129 = %scan3A_70 to %scan3A_72 step %scan3A_73  : i32 {
        %mul3A_130 = arith.constant 8 : i32
        %mul3A_131 = arith.muli %scan3A_129, %mul3A_130 : i32
        %add3A_132 = arith.constant 0 : i32
        %add3A_133 = arith.addi %mul3A_131, %add3A_132 : i32
        %get3A = arith.index_cast %add3A_133 : i32 to index
        %get3A_134 = arith.constant 0 : index
        %get3A_135 = tpu.vector_load %arg8[%get3A, %get3A_134] {strides = array<i32>} : memref<200x64xf32, #tpu.memory_space<vmem>>, vector<1x16xf32>,
        %get3A_136 = vector.shape_cast %get3A_135 : vector<1x16xf32> to vector<16xf32>
        %add3A_137 = arith.constant 0 : i32
        %add3A_138 = arith.addi %mul3A_131, %add3A_137 : i32
        %get3A_139 = arith.index_cast %add3A_138 : i32 to index
        %get3A_140 = arith.constant 0 : index
        %get3A_141 = tpu.vector_load %arg6[%get3A_139, %get3A_140] {strides = array<i32>} : memref<200x64xf32, #tpu.memory_space<vmem>>, vector<1x16xf32>,
        %get3A_142 = vector.shape_cast %get3A_141 : vector<1x16xf32> to vector<16xf32>
        %add3A_143 = arith.addf %get3A_136, %get3A_142 : vector<16xf32>
        %add3A_144 = arith.constant 0 : i32
        %add3A_145 = arith.addi %mul3A_131, %add3A_144 : i32
        %swap3A = arith.index_cast %add3A_145 : i32 to index
        %swap3A_146 = arith.constant 0 : index
        %swap3A_147 = tpu.vector_load %arg10[%swap3A, %swap3A_146] {strides = array<i32>} : memref<200x64xf32, #tpu.memory_space<vmem>>, vector<1x16xf32>,
        %swap3A_148 = vector.shape_cast %swap3A_147 : vector<1x16xf32> to vector<16xf32>
        %swap3A_149 = vector.shape_cast %add3A_143 : vector<16xf32> to vector<1x16xf32>
        tpu.vector_store %arg10[%swap3A, %swap3A_146], %swap3A_149 {strides = array<i32>} : memref<200x64xf32, #tpu.memory_space<vmem>>, vector<1x16xf32>,
        %add3A_150 = arith.constant 0 : i32
        %add3A_151 = arith.addi %mul3A_131, %add3A_150 : i32
        %get3A_152 = arith.index_cast %add3A_151 : i32 to index
        %get3A_153 = arith.constant 16 : index
        %get3A_154 = tpu.vector_load %arg8[%get3A_152, %get3A_153] {strides = array<i32>} : memref<200x64xf32, #tpu.memory_space<vmem>>, vector<1x16xf32>,
        %get3A_155 = vector.shape_cast %get3A_154 : vector<1x16xf32> to vector<16xf32>
        %add3A_156 = arith.constant 0 : i32
        %add3A_157 = arith.addi %mul3A_131, %add3A_156 : i32
        %get3A_158 = arith.index_cast %add3A_157 : i32 to index
        %get3A_159 = arith.constant 16 : index
        %get3A_160 = tpu.vector_load %arg6[%get3A_158, %get3A_159] {strides = array<i32>} : memref<200x64xf32, #tpu.memory_space<vmem>>, vector<1x16xf32>,
        %get3A_161 = vector.shape_cast %get3A_160 : vector<1x16xf32> to vector<16xf32>
        %add3A_162 = arith.addf %get3A_155, %get3A_161 : vector<16xf32>
        %add3A_163 = arith.constant 0 : i32
        %add3A_164 = arith.addi %mul3A_131, %add3A_163 : i32
        %swap3A_165 = arith.index_cast %add3A_164 : i32 to index
        %swap3A_166 = arith.constant 16 : index
        %swap3A_167 = tpu.vector_load %arg10[%swap3A_165, %swap3A_166] {strides = array<i32>} : memref<200x64xf32, #tpu.memory_space<vmem>>, vector<1x16xf32>,
        %swap3A_168 = vector.shape_cast %swap3A_167 : vector<1x16xf32> to vector<16xf32>
        %swap3A_169 = vector.shape_cast %add3A_162 : vector<16xf32> to vector<1x16xf32>
        tpu.vector_store %arg10[%swap3A_165, %swap3A_166], %swap3A_169 {strides = array<i32>} : memref<200x64xf32, #tpu.memory_space<vmem>>, vector<1x16xf32>,
        %add3A_170 = arith.constant 0 : i32
        %add3A_171 = arith.addi %mul3A_131, %add3A_170 : i32
        %get3A_172 = arith.index_cast %add3A_171 : i32 to index
        %get3A_173 = arith.constant 32 : index
        %get3A_174 = tpu.vector_load %arg8[%get3A_172, %get3A_173] {strides = array<i32>} : memref<200x64xf32, #tpu.memory_space<vmem>>, vector<1x16xf32>,
        %get3A_175 = vector.shape_cast %get3A_174 : vector<1x16xf32> to vector<16xf32>
        %add3A_176 = arith.constant 0 : i32
        %add3A_177 = arith.addi %mul3A_131, %add3A_176 : i32
        %get3A_178 = arith.index_cast %add3A_177 : i32 to index
        %get3A_179 = arith.constant 32 : index
        %get3A_180 = tpu.vector_load %arg6[%get3A_178, %get3A_179] {strides = array<i32>} : memref<200x64xf32, #tpu.memory_space<vmem>>, vector<1x16xf32>,
        %get3A_181 = vector.shape_cast %get3A_180 : vector<1x16xf32> to vector<16xf32>
        %add3A_182 = arith.addf %get3A_175, %get3A_181 : vector<16xf32>
        %add3A_183 = arith.constant 0 : i32
        %add3A_184 = arith.addi %mul3A_131, %add3A_183 : i32
        %swap3A_185 = arith.index_cast %add3A_184 : i32 to index
        %swap3A_186 = arith.constant 32 : index
        %swap3A_187 = tpu.vector_load %arg10[%swap3A_185, %swap3A_186] {strides = array<i32>} : memref<200x64xf32, #tpu.memory_space<vmem>>, vector<1x16xf32>,
        %swap3A_188 = vector.shape_cast %swap3A_187 : vector<1x16xf32> to vector<16xf32>
        %swap3A_189 = vector.shape_cast %add3A_182 : vector<16xf32> to vector<1x16xf32>
        tpu.vector_store %arg10[%swap3A_185, %swap3A_186], %swap3A_189 {strides = array<i32>} : memref<200x64xf32, #tpu.memory_space<vmem>>, vector<1x16xf32>,
        %add3A_190 = arith.constant 0 : i32
        %add3A_191 = arith.addi %mul3A_131, %add3A_190 : i32
        %get3A_192 = arith.index_cast %add3A_191 : i32 to index
        %get3A_193 = arith.constant 48 : index
        %get3A_194 = tpu.vector_load %arg8[%get3A_192, %get3A_193] {strides = array<i32>} : memref<200x64xf32, #tpu.memory_space<vmem>>, vector<1x16xf32>,
        %get3A_195 = vector.shape_cast %get3A_194 : vector<1x16xf32> to vector<16xf32>
        %add3A_196 = arith.constant 0 : i32
        %add3A_197 = arith.addi %mul3A_131, %add3A_196 : i32
        %get3A_198 = arith.index_cast %add3A_197 : i32 to index
        %get3A_199 = arith.constant 48 : index
        %get3A_200 = tpu.vector_load %arg6[%get3A_198, %get3A_199] {strides = array<i32>} : memref<200x64xf32, #tpu.memory_space<vmem>>, vector<1x16xf32>,
        %get3A_201 = vector.shape_cast %get3A_200 : vector<1x16xf32> to vector<16xf32>
        %add3A_202 = arith.addf %get3A_195, %get3A_201 : vector<16xf32>
        %add3A_203 = arith.constant 0 : i32
        %add3A_204 = arith.addi %mul3A_131, %add3A_203 : i32
        %swap3A_205 = arith.index_cast %add3A_204 : i32 to index
        %swap3A_206 = arith.constant 48 : index
        %swap3A_207 = tpu.vector_load %arg10[%swap3A_205, %swap3A_206] {strides = array<i32>} : memref<200x64xf32, #tpu.memory_space<vmem>>, vector<1x16xf32>,
        %swap3A_208 = vector.shape_cast %swap3A_207 : vector<1x16xf32> to vector<16xf32>
        %swap3A_209 = vector.shape_cast %add3A_202 : vector<16xf32> to vector<1x16xf32>
        tpu.vector_store %arg10[%swap3A_205, %swap3A_206], %swap3A_209 {strides = array<i32>} : memref<200x64xf32, #tpu.memory_space<vmem>>, vector<1x16xf32>,
        %add3A_210 = arith.constant 1 : i32
        %add3A_211 = arith.addi %mul3A_131, %add3A_210 : i32
        %get3A_212 = arith.index_cast %add3A_211 : i32 to index
        %get3A_213 = arith.constant 0 : index
        %get3A_214 = tpu.vector_load %arg8[%get3A_212, %get3A_213] {strides = array<i32>} : memref<200x64xf32, #tpu.memory_space<vmem>>, vector<1x16xf32>,
        %get3A_215 = vector.shape_cast %get3A_214 : vector<1x16xf32> to vector<16xf32>
        %add3A_216 = arith.constant 1 : i32
        %add3A_217 = arith.addi %mul3A_131, %add3A_216 : i32
        %get3A_218 = arith.index_cast %add3A_217 : i32 to index
        %get3A_219 = arith.constant 0 : index
        %get3A_220 = tpu.vector_load %arg6[%get3A_218, %get3A_219] {strides = array<i32>} : memref<200x64xf32, #tpu.memory_space<vmem>>, vector<1x16xf32>,
        %get3A_221 = vector.shape_cast %get3A_220 : vector<1x16xf32> to vector<16xf32>
        %add3A_222 = arith.addf %get3A_215, %get3A_221 : vector<16xf32>
        %add3A_223 = arith.constant 1 : i32
        %add3A_224 = arith.addi %mul3A_131, %add3A_223 : i32
        %swap3A_225 = arith.index_cast %add3A_224 : i32 to index
        %swap3A_226 = arith.constant 0 : index
        %swap3A_227 = tpu.vector_load %arg10[%swap3A_225, %swap3A_226] {strides = array<i32>} : memref<200x64xf32, #tpu.memory_space<vmem>>, vector<1x16xf32>,
        %swap3A_228 = vector.shape_cast %swap3A_227 : vector<1x16xf32> to vector<16xf32>
        %swap3A_229 = vector.shape_cast %add3A_222 : vector<16xf32> to vector<1x16xf32>
        tpu.vector_store %arg10[%swap3A_225, %swap3A_226], %swap3A_229 {strides = array<i32>} : memref<200x64xf32, #tpu.memory_space<vmem>>, vector<1x16xf32>,
        %add3A_230 = arith.constant 1 : i32
        %add3A_231 = arith.addi %mul3A_131, %add3A_230 : i32
        %get3A_232 = arith.index_cast %add3A_231 : i32 to index
        %get3A_233 = arith.constant 16 : index
        %get3A_234 = tpu.vector_load %arg8[%get3A_232, %get3A_233] {strides = array<i32>} : memref<200x64xf32, #tpu.memory_space<vmem>>, vector<1x16xf32>,
        %get3A_235 = vector.shape_cast %get3A_234 : vector<1x16xf32> to vector<16xf32>
        %add3A_236 = arith.constant 1 : i32
        %add3A_237 = arith.addi %mul3A_131, %add3A_236 : i32
        %get3A_238 = arith.index_cast %add3A_237 : i32 to index
        %get3A_239 = arith.constant 16 : index
        %get3A_240 = tpu.vector_load %arg6[%get3A_238, %get3A_239] {strides = array<i32>} : memref<200x64xf32, #tpu.memory_space<vmem>>, vector<1x16xf32>,
        %get3A_241 = vector.shape_cast %get3A_240 : vector<1x16xf32> to vector<16xf32>
        %add3A_242 = arith.addf %get3A_235, %get3A_241 : vector<16xf32>
        %add3A_243 = arith.constant 1 : i32
        %add3A_244 = arith.addi %mul3A_131, %add3A_243 : i32
        %swap3A_245 = arith.index_cast %add3A_244 : i32 to index
        %swap3A_246 = arith.constant 16 : index
        %swap3A_247 = tpu.vector_load %arg10[%swap3A_245, %swap3A_246] {strides = array<i32>} : memref<200x64xf32, #tpu.memory_space<vmem>>, vector<1x16xf32>,
        %swap3A_248 = vector.shape_cast %swap3A_247 : vector<1x16xf32> to vector<16xf32>
        %swap3A_249 = vector.shape_cast %add3A_242 : vector<16xf32> to vector<1x16xf32>
        tpu.vector_store %arg10[%swap3A_245, %swap3A_246], %swap3A_249 {strides = array<i32>} : memref<200x64xf32, #tpu.memory_space<vmem>>, vector<1x16xf32>,
        %add3A_250 = arith.constant 1 : i32
        %add3A_251 = arith.addi %mul3A_131, %add3A_250 : i32
        %get3A_252 = arith.index_cast %add3A_251 : i32 to index
        %get3A_253 = arith.constant 32 : index
        %get3A_254 = tpu.vector_load %arg8[%get3A_252, %get3A_253] {strides = array<i32>} : memref<200x64xf32, #tpu.memory_space<vmem>>, vector<1x16xf32>,
        %get3A_255 = vector.shape_cast %get3A_254 : vector<1x16xf32> to vector<16xf32>
        %add3A_256 = arith.constant 1 : i32
        %add3A_257 = arith.addi %mul3A_131, %add3A_256 : i32
        %get3A_258 = arith.index_cast %add3A_257 : i32 to index
        %get3A_259 = arith.constant 32 : index
        %get3A_260 = tpu.vector_load %arg6[%get3A_258, %get3A_259] {strides = array<i32>} : memref<200x64xf32, #tpu.memory_space<vmem>>, vector<1x16xf32>,
        %get3A_261 = vector.shape_cast %get3A_260 : vector<1x16xf32> to vector<16xf32>
        %add3A_262 = arith.addf %get3A_255, %get3A_261 : vector<16xf32>
        %add3A_263 = arith.constant 1 : i32
        %add3A_264 = arith.addi %mul3A_131, %add3A_263 : i32
        %swap3A_265 = arith.index_cast %add3A_264 : i32 to index
        %swap3A_266 = arith.constant 32 : index
        %swap3A_267 = tpu.vector_load %arg10[%swap3A_265, %swap3A_266] {strides = array<i32>} : memref<200x64xf32, #tpu.memory_space<vmem>>, vector<1x16xf32>,
        %swap3A_268 = vector.shape_cast %swap3A_267 : vector<1x16xf32> to vector<16xf32>
        %swap3A_269 = vector.shape_cast %add3A_262 : vector<16xf32> to vector<1x16xf32>
        tpu.vector_store %arg10[%swap3A_265, %swap3A_266], %swap3A_269 {strides = array<i32>} : memref<200x64xf32, #tpu.memory_space<vmem>>, vector<1x16xf32>,
        %add3A_270 = arith.constant 1 : i32
        %add3A_271 = arith.addi %mul3A_131, %add3A_270 : i32
        %get3A_272 = arith.index_cast %add3A_271 : i32 to index
        %get3A_273 = arith.constant 48 : index
        %get3A_274 = tpu.vector_load %arg8[%get3A_272, %get3A_273] {strides = array<i32>} : memref<200x64xf32, #tpu.memory_space<vmem>>, vector<1x16xf32>,
        %get3A_275 = vector.shape_cast %get3A_274 : vector<1x16xf32> to vector<16xf32>
        %add3A_276 = arith.constant 1 : i32
        %add3A_277 = arith.addi %mul3A_131, %add3A_276 : i32
        %get3A_278 = arith.index_cast %add3A_277 : i32 to index
        %get3A_279 = arith.constant 48 : index
        %get3A_280 = tpu.vector_load %arg6[%get3A_278, %get3A_279] {strides = array<i32>} : memref<200x64xf32, #tpu.memory_space<vmem>>, vector<1x16xf32>,
        %get3A_281 = vector.shape_cast %get3A_280 : vector<1x16xf32> to vector<16xf32>
        %add3A_282 = arith.addf %get3A_275, %get3A_281 : vector<16xf32>
        %add3A_283 = arith.constant 1 : i32
        %add3A_284 = arith.addi %mul3A_131, %add3A_283 : i32
        %swap3A_285 = arith.index_cast %add3A_284 : i32 to index
        %swap3A_286 = arith.constant 48 : index
        %swap3A_287 = tpu.vector_load %arg10[%swap3A_285, %swap3A_286] {strides = array<i32>} : memref<200x64xf32, #tpu.memory_space<vmem>>, vector<1x16xf32>,
        %swap3A_288 = vector.shape_cast %swap3A_287 : vector<1x16xf32> to vector<16xf32>
        %swap3A_289 = vector.shape_cast %add3A_282 : vector<16xf32> to vector<1x16xf32>
        tpu.vector_store %arg10[%swap3A_285, %swap3A_286], %swap3A_289 {strides = array<i32>} : memref<200x64xf32, #tpu.memory_space<vmem>>, vector<1x16xf32>,
        %add3A_290 = arith.constant 2 : i32
        %add3A_291 = arith.addi %mul3A_131, %add3A_290 : i32
        %get3A_292 = arith.index_cast %add3A_291 : i32 to index
        %get3A_293 = arith.constant 0 : index
        %get3A_294 = tpu.vector_load %arg8[%get3A_292, %get3A_293] {strides = array<i32>} : memref<200x64xf32, #tpu.memory_space<vmem>>, vector<1x16xf32>,
        %get3A_295 = vector.shape_cast %get3A_294 : vector<1x16xf32> to vector<16xf32>
        %add3A_296 = arith.constant 2 : i32
        %add3A_297 = arith.addi %mul3A_131, %add3A_296 : i32
        %get3A_298 = arith.index_cast %add3A_297 : i32 to index
        %get3A_299 = arith.constant 0 : index
        %get3A_300 = tpu.vector_load %arg6[%get3A_298, %get3A_299] {strides = array<i32>} : memref<200x64xf32, #tpu.memory_space<vmem>>, vector<1x16xf32>,
        %get3A_301 = vector.shape_cast %get3A_300 : vector<1x16xf32> to vector<16xf32>
        %add3A_302 = arith.addf %get3A_295, %get3A_301 : vector<16xf32>
        %add3A_303 = arith.constant 2 : i32
        %add3A_304 = arith.addi %mul3A_131, %add3A_303 : i32
        %swap3A_305 = arith.index_cast %add3A_304 : i32 to index
        %swap3A_306 = arith.constant 0 : index
        %swap3A_307 = tpu.vector_load %arg10[%swap3A_305, %swap3A_306] {strides = array<i32>} : memref<200x64xf32, #tpu.memory_space<vmem>>, vector<1x16xf32>,
        %swap3A_308 = vector.shape_cast %swap3A_307 : vector<1x16xf32> to vector<16xf32>
        %swap3A_309 = vector.shape_cast %add3A_302 : vector<16xf32> to vector<1x16xf32>
        tpu.vector_store %arg10[%swap3A_305, %swap3A_306], %swap3A_309 {strides = array<i32>} : memref<200x64xf32, #tpu.memory_space<vmem>>, vector<1x16xf32>,
        %add3A_310 = arith.constant 2 : i32
        %add3A_311 = arith.addi %mul3A_131, %add3A_310 : i32
        %get3A_312 = arith.index_cast %add3A_311 : i32 to index
        %get3A_313 = arith.constant 16 : index
        %get3A_314 = tpu.vector_load %arg8[%get3A_312, %get3A_313] {strides = array<i32>} : memref<200x64xf32, #tpu.memory_space<vmem>>, vector<1x16xf32>,
        %get3A_315 = vector.shape_cast %get3A_314 : vector<1x16xf32> to vector<16xf32>
        %add3A_316 = arith.constant 2 : i32
        %add3A_317 = arith.addi %mul3A_131, %add3A_316 : i32
        %get3A_318 = arith.index_cast %add3A_317 : i32 to index
        %get3A_319 = arith.constant 16 : index
        %get3A_320 = tpu.vector_load %arg6[%get3A_318, %get3A_319] {strides = array<i32>} : memref<200x64xf32, #tpu.memory_space<vmem>>, vector<1x16xf32>,
        %get3A_321 = vector.shape_cast %get3A_320 : vector<1x16xf32> to vector<16xf32>
        %add3A_322 = arith.addf %get3A_315, %get3A_321 : vector<16xf32>
        %add3A_323 = arith.constant 2 : i32
        %add3A_324 = arith.addi %mul3A_131, %add3A_323 : i32
        %swap3A_325 = arith.index_cast %add3A_324 : i32 to index
        %swap3A_326 = arith.constant 16 : index
        %swap3A_327 = tpu.vector_load %arg10[%swap3A_325, %swap3A_326] {strides = array<i32>} : memref<200x64xf32, #tpu.memory_space<vmem>>, vector<1x16xf32>,
        %swap3A_328 = vector.shape_cast %swap3A_327 : vector<1x16xf32> to vector<16xf32>
        %swap3A_329 = vector.shape_cast %add3A_322 : vector<16xf32> to vector<1x16xf32>
        tpu.vector_store %arg10[%swap3A_325, %swap3A_326], %swap3A_329 {strides = array<i32>} : memref<200x64xf32, #tpu.memory_space<vmem>>, vector<1x16xf32>,
        %add3A_330 = arith.constant 2 : i32
        %add3A_331 = arith.addi %mul3A_131, %add3A_330 : i32
        %get3A_332 = arith.index_cast %add3A_331 : i32 to index
        %get3A_333 = arith.constant 32 : index
        %get3A_334 = tpu.vector_load %arg8[%get3A_332, %get3A_333] {strides = array<i32>} : memref<200x64xf32, #tpu.memory_space<vmem>>, vector<1x16xf32>,
        %get3A_335 = vector.shape_cast %get3A_334 : vector<1x16xf32> to vector<16xf32>
        %add3A_336 = arith.constant 2 : i32
        %add3A_337 = arith.addi %mul3A_131, %add3A_336 : i32
        %get3A_338 = arith.index_cast %add3A_337 : i32 to index
        %get3A_339 = arith.constant 32 : index
        %get3A_340 = tpu.vector_load %arg6[%get3A_338, %get3A_339] {strides = array<i32>} : memref<200x64xf32, #tpu.memory_space<vmem>>, vector<1x16xf32>,
        %get3A_341 = vector.shape_cast %get3A_340 : vector<1x16xf32> to vector<16xf32>
        %add3A_342 = arith.addf %get3A_335, %get3A_341 : vector<16xf32>
        %add3A_343 = arith.constant 2 : i32
        %add3A_344 = arith.addi %mul3A_131, %add3A_343 : i32
        %swap3A_345 = arith.index_cast %add3A_344 : i32 to index
        %swap3A_346 = arith.constant 32 : index
        %swap3A_347 = tpu.vector_load %arg10[%swap3A_345, %swap3A_346] {strides = array<i32>} : memref<200x64xf32, #tpu.memory_space<vmem>>, vector<1x16xf32>,
        %swap3A_348 = vector.shape_cast %swap3A_347 : vector<1x16xf32> to vector<16xf32>
        %swap3A_349 = vector.shape_cast %add3A_342 : vector<16xf32> to vector<1x16xf32>
        tpu.vector_store %arg10[%swap3A_345, %swap3A_346], %swap3A_349 {strides = array<i32>} : memref<200x64xf32, #tpu.memory_space<vmem>>, vector<1x16xf32>,
        %add3A_350 = arith.constant 2 : i32
        %add3A_351 = arith.addi %mul3A_131, %add3A_350 : i32
        %get3A_352 = arith.index_cast %add3A_351 : i32 to index
        %get3A_353 = arith.constant 48 : index
        %get3A_354 = tpu.vector_load %arg8[%get3A_352, %get3A_353] {strides = array<i32>} : memref<200x64xf32, #tpu.memory_space<vmem>>, vector<1x16xf32>,
        %get3A_355 = vector.shape_cast %get3A_354 : vector<1x16xf32> to vector<16xf32>
        %add3A_356 = arith.constant 2 : i32
        %add3A_357 = arith.addi %mul3A_131, %add3A_356 : i32
        %get3A_358 = arith.index_cast %add3A_357 : i32 to index
        %get3A_359 = arith.constant 48 : index
        %get3A_360 = tpu.vector_load %arg6[%get3A_358, %get3A_359] {strides = array<i32>} : memref<200x64xf32, #tpu.memory_space<vmem>>, vector<1x16xf32>,
        %get3A_361 = vector.shape_cast %get3A_360 : vector<1x16xf32> to vector<16xf32>
        %add3A_362 = arith.addf %get3A_355, %get3A_361 : vector<16xf32>
        %add3A_363 = arith.constant 2 : i32
        %add3A_364 = arith.addi %mul3A_131, %add3A_363 : i32
        %swap3A_365 = arith.index_cast %add3A_364 : i32 to index
        %swap3A_366 = arith.constant 48 : index
        %swap3A_367 = tpu.vector_load %arg10[%swap3A_365, %swap3A_366] {strides = array<i32>} : memref<200x64xf32, #tpu.memory_space<vmem>>, vector<1x16xf32>,
        %swap3A_368 = vector.shape_cast %swap3A_367 : vector<1x16xf32> to vector<16xf32>
        %swap3A_369 = vector.shape_cast %add3A_362 : vector<16xf32> to vector<1x16xf32>
        tpu.vector_store %arg10[%swap3A_365, %swap3A_366], %swap3A_369 {strides = array<i32>} : memref<200x64xf32, #tpu.memory_space<vmem>>, vector<1x16xf32>,
        %add3A_370 = arith.constant 3 : i32
        %add3A_371 = arith.addi %mul3A_131, %add3A_370 : i32
        %get3A_372 = arith.index_cast %add3A_371 : i32 to index
        %get3A_373 = arith.constant 0 : index
        %get3A_374 = tpu.vector_load %arg8[%get3A_372, %get3A_373] {strides = array<i32>} : memref<200x64xf32, #tpu.memory_space<vmem>>, vector<1x16xf32>,
        %get3A_375 = vector.shape_cast %get3A_374 : vector<1x16xf32> to vector<16xf32>
        %add3A_376 = arith.constant 3 : i32
        %add3A_377 = arith.addi %mul3A_131, %add3A_376 : i32
        %get3A_378 = arith.index_cast %add3A_377 : i32 to index
        %get3A_379 = arith.constant 0 : index
        %get3A_380 = tpu.vector_load %arg6[%get3A_378, %get3A_379] {strides = array<i32>} : memref<200x64xf32, #tpu.memory_space<vmem>>, vector<1x16xf32>,
        %get3A_381 = vector.shape_cast %get3A_380 : vector<1x16xf32> to vector<16xf32>
        %add3A_382 = arith.addf %get3A_375, %get3A_381 : vector<16xf32>
        %add3A_383 = arith.constant 3 : i32
        %add3A_384 = arith.addi %mul3A_131, %add3A_383 : i32
        %swap3A_385 = arith.index_cast %add3A_384 : i32 to index
        %swap3A_386 = arith.constant 0 : index
        %swap3A_387 = tpu.vector_load %arg10[%swap3A_385, %swap3A_386] {strides = array<i32>} : memref<200x64xf32, #tpu.memory_space<vmem>>, vector<1x16xf32>,
        %swap3A_388 = vector.shape_cast %swap3A_387 : vector<1x16xf32> to vector<16xf32>
        %swap3A_389 = vector.shape_cast %add3A_382 : vector<16xf32> to vector<1x16xf32>
        tpu.vector_store %arg10[%swap3A_385, %swap3A_386], %swap3A_389 {strides = array<i32>} : memref<200x64xf32, #tpu.memory_space<vmem>>, vector<1x16xf32>,
        %add3A_390 = arith.constant 3 : i32
        %add3A_391 = arith.addi %mul3A_131, %add3A_390 : i32
        %get3A_392 = arith.index_cast %add3A_391 : i32 to index
        %get3A_393 = arith.constant 16 : index
        %get3A_394 = tpu.vector_load %arg8[%get3A_392, %get3A_393] {strides = array<i32>} : memref<200x64xf32, #tpu.memory_space<vmem>>, vector<1x16xf32>,
        %get3A_395 = vector.shape_cast %get3A_394 : vector<1x16xf32> to vector<16xf32>
        %add3A_396 = arith.constant 3 : i32
        %add3A_397 = arith.addi %mul3A_131, %add3A_396 : i32
        %get3A_398 = arith.index_cast %add3A_397 : i32 to index
        %get3A_399 = arith.constant 16 : index
        %get3A_400 = tpu.vector_load %arg6[%get3A_398, %get3A_399] {strides = array<i32>} : memref<200x64xf32, #tpu.memory_space<vmem>>, vector<1x16xf32>,
        %get3A_401 = vector.shape_cast %get3A_400 : vector<1x16xf32> to vector<16xf32>
        %add3A_402 = arith.addf %get3A_395, %get3A_401 : vector<16xf32>
        %add3A_403 = arith.constant 3 : i32
        %add3A_404 = arith.addi %mul3A_131, %add3A_403 : i32
        %swap3A_405 = arith.index_cast %add3A_404 : i32 to index
        %swap3A_406 = arith.constant 16 : index
        %swap3A_407 = tpu.vector_load %arg10[%swap3A_405, %swap3A_406] {strides = array<i32>} : memref<200x64xf32, #tpu.memory_space<vmem>>, vector<1x16xf32>,
        %swap3A_408 = vector.shape_cast %swap3A_407 : vector<1x16xf32> to vector<16xf32>
        %swap3A_409 = vector.shape_cast %add3A_402 : vector<16xf32> to vector<1x16xf32>
        tpu.vector_store %arg10[%swap3A_405, %swap3A_406], %swap3A_409 {strides = array<i32>} : memref<200x64xf32, #tpu.memory_space<vmem>>, vector<1x16xf32>,
        %add3A_410 = arith.constant 3 : i32
        %add3A_411 = arith.addi %mul3A_131, %add3A_410 : i32
        %get3A_412 = arith.index_cast %add3A_411 : i32 to index
        %get3A_413 = arith.constant 32 : index
        %get3A_414 = tpu.vector_load %arg8[%get3A_412, %get3A_413] {strides = array<i32>} : memref<200x64xf32, #tpu.memory_space<vmem>>, vector<1x16xf32>,
        %get3A_415 = vector.shape_cast %get3A_414 : vector<1x16xf32> to vector<16xf32>
        %add3A_416 = arith.constant 3 : i32
        %add3A_417 = arith.addi %mul3A_131, %add3A_416 : i32
        %get3A_418 = arith.index_cast %add3A_417 : i32 to index
        %get3A_419 = arith.constant 32 : index
        %get3A_420 = tpu.vector_load %arg6[%get3A_418, %get3A_419] {strides = array<i32>} : memref<200x64xf32, #tpu.memory_space<vmem>>, vector<1x16xf32>,
        %get3A_421 = vector.shape_cast %get3A_420 : vector<1x16xf32> to vector<16xf32>
        %add3A_422 = arith.addf %get3A_415, %get3A_421 : vector<16xf32>
        %add3A_423 = arith.constant 3 : i32
        %add3A_424 = arith.addi %mul3A_131, %add3A_423 : i32
        %swap3A_425 = arith.index_cast %add3A_424 : i32 to index
        %swap3A_426 = arith.constant 32 : index
        %swap3A_427 = tpu.vector_load %arg10[%swap3A_425, %swap3A_426] {strides = array<i32>} : memref<200x64xf32, #tpu.memory_space<vmem>>, vector<1x16xf32>,
        %swap3A_428 = vector.shape_cast %swap3A_427 : vector<1x16xf32> to vector<16xf32>
        %swap3A_429 = vector.shape_cast %add3A_422 : vector<16xf32> to vector<1x16xf32>
        tpu.vector_store %arg10[%swap3A_425, %swap3A_426], %swap3A_429 {strides = array<i32>} : memref<200x64xf32, #tpu.memory_space<vmem>>, vector<1x16xf32>,
        %add3A_430 = arith.constant 3 : i32
        %add3A_431 = arith.addi %mul3A_131, %add3A_430 : i32
        %get3A_432 = arith.index_cast %add3A_431 : i32 to index
        %get3A_433 = arith.constant 48 : index
        %get3A_434 = tpu.vector_load %arg8[%get3A_432, %get3A_433] {strides = array<i32>} : memref<200x64xf32, #tpu.memory_space<vmem>>, vector<1x16xf32>,
        %get3A_435 = vector.shape_cast %get3A_434 : vector<1x16xf32> to vector<16xf32>
        %add3A_436 = arith.constant 3 : i32
        %add3A_437 = arith.addi %mul3A_131, %add3A_436 : i32
        %get3A_438 = arith.index_cast %add3A_437 : i32 to index
        %get3A_439 = arith.constant 48 : index
        %get3A_440 = tpu.vector_load %arg6[%get3A_438, %get3A_439] {strides = array<i32>} : memref<200x64xf32, #tpu.memory_space<vmem>>, vector<1x16xf32>,
        %get3A_441 = vector.shape_cast %get3A_440 : vector<1x16xf32> to vector<16xf32>
        %add3A_442 = arith.addf %get3A_435, %get3A_441 : vector<16xf32>
        %add3A_443 = arith.constant 3 : i32
        %add3A_444 = arith.addi %mul3A_131, %add3A_443 : i32
        %swap3A_445 = arith.index_cast %add3A_444 : i32 to index
        %swap3A_446 = arith.constant 48 : index
        %swap3A_447 = tpu.vector_load %arg10[%swap3A_445, %swap3A_446] {strides = array<i32>} : memref<200x64xf32, #tpu.memory_space<vmem>>, vector<1x16xf32>,
        %swap3A_448 = vector.shape_cast %swap3A_447 : vector<1x16xf32> to vector<16xf32>
        %swap3A_449 = vector.shape_cast %add3A_442 : vector<16xf32> to vector<1x16xf32>
        tpu.vector_store %arg10[%swap3A_445, %swap3A_446], %swap3A_449 {strides = array<i32>} : memref<200x64xf32, #tpu.memory_space<vmem>>, vector<1x16xf32>,
        %add3A_450 = arith.constant 4 : i32
        %add3A_451 = arith.addi %mul3A_131, %add3A_450 : i32
        %get3A_452 = arith.index_cast %add3A_451 : i32 to index
        %get3A_453 = arith.constant 0 : index
        %get3A_454 = tpu.vector_load %arg8[%get3A_452, %get3A_453] {strides = array<i32>} : memref<200x64xf32, #tpu.memory_space<vmem>>, vector<1x16xf32>,
        %get3A_455 = vector.shape_cast %get3A_454 : vector<1x16xf32> to vector<16xf32>
        %add3A_456 = arith.constant 4 : i32
        %add3A_457 = arith.addi %mul3A_131, %add3A_456 : i32
        %get3A_458 = arith.index_cast %add3A_457 : i32 to index
        %get3A_459 = arith.constant 0 : index
        %get3A_460 = tpu.vector_load %arg6[%get3A_458, %get3A_459] {strides = array<i32>} : memref<200x64xf32, #tpu.memory_space<vmem>>, vector<1x16xf32>,
        %get3A_461 = vector.shape_cast %get3A_460 : vector<1x16xf32> to vector<16xf32>
        %add3A_462 = arith.addf %get3A_455, %get3A_461 : vector<16xf32>
        %add3A_463 = arith.constant 4 : i32
        %add3A_464 = arith.addi %mul3A_131, %add3A_463 : i32
        %swap3A_465 = arith.index_cast %add3A_464 : i32 to index
        %swap3A_466 = arith.constant 0 : index
        %swap3A_467 = tpu.vector_load %arg10[%swap3A_465, %swap3A_466] {strides = array<i32>} : memref<200x64xf32, #tpu.memory_space<vmem>>, vector<1x16xf32>,
        %swap3A_468 = vector.shape_cast %swap3A_467 : vector<1x16xf32> to vector<16xf32>
        %swap3A_469 = vector.shape_cast %add3A_462 : vector<16xf32> to vector<1x16xf32>
        tpu.vector_store %arg10[%swap3A_465, %swap3A_466], %swap3A_469 {strides = array<i32>} : memref<200x64xf32, #tpu.memory_space<vmem>>, vector<1x16xf32>,
        %add3A_470 = arith.constant 4 : i32
        %add3A_471 = arith.addi %mul3A_131, %add3A_470 : i32
        %get3A_472 = arith.index_cast %add3A_471 : i32 to index
        %get3A_473 = arith.constant 16 : index
        %get3A_474 = tpu.vector_load %arg8[%get3A_472, %get3A_473] {strides = array<i32>} : memref<200x64xf32, #tpu.memory_space<vmem>>, vector<1x16xf32>,
        %get3A_475 = vector.shape_cast %get3A_474 : vector<1x16xf32> to vector<16xf32>
        %add3A_476 = arith.constant 4 : i32
        %add3A_477 = arith.addi %mul3A_131, %add3A_476 : i32
        %get3A_478 = arith.index_cast %add3A_477 : i32 to index
        %get3A_479 = arith.constant 16 : index
        %get3A_480 = tpu.vector_load %arg6[%get3A_478, %get3A_479] {strides = array<i32>} : memref<200x64xf32, #tpu.memory_space<vmem>>, vector<1x16xf32>,
        %get3A_481 = vector.shape_cast %get3A_480 : vector<1x16xf32> to vector<16xf32>
        %add3A_482 = arith.addf %get3A_475, %get3A_481 : vector<16xf32>
        %add3A_483 = arith.constant 4 : i32
        %add3A_484 = arith.addi %mul3A_131, %add3A_483 : i32
        %swap3A_485 = arith.index_cast %add3A_484 : i32 to index
        %swap3A_486 = arith.constant 16 : index
        %swap3A_487 = tpu.vector_load %arg10[%swap3A_485, %swap3A_486] {strides = array<i32>} : memref<200x64xf32, #tpu.memory_space<vmem>>, vector<1x16xf32>,
        %swap3A_488 = vector.shape_cast %swap3A_487 : vector<1x16xf32> to vector<16xf32>
        %swap3A_489 = vector.shape_cast %add3A_482 : vector<16xf32> to vector<1x16xf32>
        tpu.vector_store %arg10[%swap3A_485, %swap3A_486], %swap3A_489 {strides = array<i32>} : memref<200x64xf32, #tpu.memory_space<vmem>>, vector<1x16xf32>,
        %add3A_490 = arith.constant 4 : i32
        %add3A_491 = arith.addi %mul3A_131, %add3A_490 : i32
        %get3A_492 = arith.index_cast %add3A_491 : i32 to index
        %get3A_493 = arith.constant 32 : index
        %get3A_494 = tpu.vector_load %arg8[%get3A_492, %get3A_493] {strides = array<i32>} : memref<200x64xf32, #tpu.memory_space<vmem>>, vector<1x16xf32>,
        %get3A_495 = vector.shape_cast %get3A_494 : vector<1x16xf32> to vector<16xf32>
        %add3A_496 = arith.constant 4 : i32
        %add3A_497 = arith.addi %mul3A_131, %add3A_496 : i32
        %get3A_498 = arith.index_cast %add3A_497 : i32 to index
        %get3A_499 = arith.constant 32 : index
        %get3A_500 = tpu.vector_load %arg6[%get3A_498, %get3A_499] {strides = array<i32>} : memref<200x64xf32, #tpu.memory_space<vmem>>, vector<1x16xf32>,
        %get3A_501 = vector.shape_cast %get3A_500 : vector<1x16xf32> to vector<16xf32>
        %add3A_502 = arith.addf %get3A_495, %get3A_501 : vector<16xf32>
        %add3A_503 = arith.constant 4 : i32
        %add3A_504 = arith.addi %mul3A_131, %add3A_503 : i32
        %swap3A_505 = arith.index_cast %add3A_504 : i32 to index
        %swap3A_506 = arith.constant 32 : index
        %swap3A_507 = tpu.vector_load %arg10[%swap3A_505, %swap3A_506] {strides = array<i32>} : memref<200x64xf32, #tpu.memory_space<vmem>>, vector<1x16xf32>,
        %swap3A_508 = vector.shape_cast %swap3A_507 : vector<1x16xf32> to vector<16xf32>
        %swap3A_509 = vector.shape_cast %add3A_502 : vector<16xf32> to vector<1x16xf32>
        tpu.vector_store %arg10[%swap3A_505, %swap3A_506], %swap3A_509 {strides = array<i32>} : memref<200x64xf32, #tpu.memory_space<vmem>>, vector<1x16xf32>,
        %add3A_510 = arith.constant 4 : i32
        %add3A_511 = arith.addi %mul3A_131, %add3A_510 : i32
        %get3A_512 = arith.index_cast %add3A_511 : i32 to index
        %get3A_513 = arith.constant 48 : index
        %get3A_514 = tpu.vector_load %arg8[%get3A_512, %get3A_513] {strides = array<i32>} : memref<200x64xf32, #tpu.memory_space<vmem>>, vector<1x16xf32>,
        %get3A_515 = vector.shape_cast %get3A_514 : vector<1x16xf32> to vector<16xf32>
        %add3A_516 = arith.constant 4 : i32
        %add3A_517 = arith.addi %mul3A_131, %add3A_516 : i32
        %get3A_518 = arith.index_cast %add3A_517 : i32 to index
        %get3A_519 = arith.constant 48 : index
        %get3A_520 = tpu.vector_load %arg6[%get3A_518, %get3A_519] {strides = array<i32>} : memref<200x64xf32, #tpu.memory_space<vmem>>, vector<1x16xf32>,
        %get3A_521 = vector.shape_cast %get3A_520 : vector<1x16xf32> to vector<16xf32>
        %add3A_522 = arith.addf %get3A_515, %get3A_521 : vector<16xf32>
        %add3A_523 = arith.constant 4 : i32
        %add3A_524 = arith.addi %mul3A_131, %add3A_523 : i32
        %swap3A_525 = arith.index_cast %add3A_524 : i32 to index
        %swap3A_526 = arith.constant 48 : index
        %swap3A_527 = tpu.vector_load %arg10[%swap3A_525, %swap3A_526] {strides = array<i32>} : memref<200x64xf32, #tpu.memory_space<vmem>>, vector<1x16xf32>,
        %swap3A_528 = vector.shape_cast %swap3A_527 : vector<1x16xf32> to vector<16xf32>
        %swap3A_529 = vector.shape_cast %add3A_522 : vector<16xf32> to vector<1x16xf32>
        tpu.vector_store %arg10[%swap3A_525, %swap3A_526], %swap3A_529 {strides = array<i32>} : memref<200x64xf32, #tpu.memory_space<vmem>>, vector<1x16xf32>,
        %add3A_530 = arith.constant 5 : i32
        %add3A_531 = arith.addi %mul3A_131, %add3A_530 : i32
        %get3A_532 = arith.index_cast %add3A_531 : i32 to index
        %get3A_533 = arith.constant 0 : index
        %get3A_534 = tpu.vector_load %arg8[%get3A_532, %get3A_533] {strides = array<i32>} : memref<200x64xf32, #tpu.memory_space<vmem>>, vector<1x16xf32>,
        %get3A_535 = vector.shape_cast %get3A_534 : vector<1x16xf32> to vector<16xf32>
        %add3A_536 = arith.constant 5 : i32
        %add3A_537 = arith.addi %mul3A_131, %add3A_536 : i32
        %get3A_538 = arith.index_cast %add3A_537 : i32 to index
        %get3A_539 = arith.constant 0 : index
        %get3A_540 = tpu.vector_load %arg6[%get3A_538, %get3A_539] {strides = array<i32>} : memref<200x64xf32, #tpu.memory_space<vmem>>, vector<1x16xf32>,
        %get3A_541 = vector.shape_cast %get3A_540 : vector<1x16xf32> to vector<16xf32>
        %add3A_542 = arith.addf %get3A_535, %get3A_541 : vector<16xf32>
        %add3A_543 = arith.constant 5 : i32
        %add3A_544 = arith.addi %mul3A_131, %add3A_543 : i32
        %swap3A_545 = arith.index_cast %add3A_544 : i32 to index
        %swap3A_546 = arith.constant 0 : index
        %swap3A_547 = tpu.vector_load %arg10[%swap3A_545, %swap3A_546] {strides = array<i32>} : memref<200x64xf32, #tpu.memory_space<vmem>>, vector<1x16xf32>,
        %swap3A_548 = vector.shape_cast %swap3A_547 : vector<1x16xf32> to vector<16xf32>
        %swap3A_549 = vector.shape_cast %add3A_542 : vector<16xf32> to vector<1x16xf32>
        tpu.vector_store %arg10[%swap3A_545, %swap3A_546], %swap3A_549 {strides = array<i32>} : memref<200x64xf32, #tpu.memory_space<vmem>>, vector<1x16xf32>,
        %add3A_550 = arith.constant 5 : i32
        %add3A_551 = arith.addi %mul3A_131, %add3A_550 : i32
        %get3A_552 = arith.index_cast %add3A_551 : i32 to index
        %get3A_553 = arith.constant 16 : index
        %get3A_554 = tpu.vector_load %arg8[%get3A_552, %get3A_553] {strides = array<i32>} : memref<200x64xf32, #tpu.memory_space<vmem>>, vector<1x16xf32>,
        %get3A_555 = vector.shape_cast %get3A_554 : vector<1x16xf32> to vector<16xf32>
        %add3A_556 = arith.constant 5 : i32
        %add3A_557 = arith.addi %mul3A_131, %add3A_556 : i32
        %get3A_558 = arith.index_cast %add3A_557 : i32 to index
        %get3A_559 = arith.constant 16 : index
        %get3A_560 = tpu.vector_load %arg6[%get3A_558, %get3A_559] {strides = array<i32>} : memref<200x64xf32, #tpu.memory_space<vmem>>, vector<1x16xf32>,
        %get3A_561 = vector.shape_cast %get3A_560 : vector<1x16xf32> to vector<16xf32>
        %add3A_562 = arith.addf %get3A_555, %get3A_561 : vector<16xf32>
        %add3A_563 = arith.constant 5 : i32
        %add3A_564 = arith.addi %mul3A_131, %add3A_563 : i32
        %swap3A_565 = arith.index_cast %add3A_564 : i32 to index
        %swap3A_566 = arith.constant 16 : index
        %swap3A_567 = tpu.vector_load %arg10[%swap3A_565, %swap3A_566] {strides = array<i32>} : memref<200x64xf32, #tpu.memory_space<vmem>>, vector<1x16xf32>,
        %swap3A_568 = vector.shape_cast %swap3A_567 : vector<1x16xf32> to vector<16xf32>
        %swap3A_569 = vector.shape_cast %add3A_562 : vector<16xf32> to vector<1x16xf32>
        tpu.vector_store %arg10[%swap3A_565, %swap3A_566], %swap3A_569 {strides = array<i32>} : memref<200x64xf32, #tpu.memory_space<vmem>>, vector<1x16xf32>,
        %add3A_570 = arith.constant 5 : i32
        %add3A_571 = arith.addi %mul3A_131, %add3A_570 : i32
        %get3A_572 = arith.index_cast %add3A_571 : i32 to index
        %get3A_573 = arith.constant 32 : index
        %get3A_574 = tpu.vector_load %arg8[%get3A_572, %get3A_573] {strides = array<i32>} : memref<200x64xf32, #tpu.memory_space<vmem>>, vector<1x16xf32>,
        %get3A_575 = vector.shape_cast %get3A_574 : vector<1x16xf32> to vector<16xf32>
        %add3A_576 = arith.constant 5 : i32
        %add3A_577 = arith.addi %mul3A_131, %add3A_576 : i32
        %get3A_578 = arith.index_cast %add3A_577 : i32 to index
        %get3A_579 = arith.constant 32 : index
        %get3A_580 = tpu.vector_load %arg6[%get3A_578, %get3A_579] {strides = array<i32>} : memref<200x64xf32, #tpu.memory_space<vmem>>, vector<1x16xf32>,
        %get3A_581 = vector.shape_cast %get3A_580 : vector<1x16xf32> to vector<16xf32>
        %add3A_582 = arith.addf %get3A_575, %get3A_581 : vector<16xf32>
        %add3A_583 = arith.constant 5 : i32
        %add3A_584 = arith.addi %mul3A_131, %add3A_583 : i32
        %swap3A_585 = arith.index_cast %add3A_584 : i32 to index
        %swap3A_586 = arith.constant 32 : index
        %swap3A_587 = tpu.vector_load %arg10[%swap3A_585, %swap3A_586] {strides = array<i32>} : memref<200x64xf32, #tpu.memory_space<vmem>>, vector<1x16xf32>,
        %swap3A_588 = vector.shape_cast %swap3A_587 : vector<1x16xf32> to vector<16xf32>
        %swap3A_589 = vector.shape_cast %add3A_582 : vector<16xf32> to vector<1x16xf32>
        tpu.vector_store %arg10[%swap3A_585, %swap3A_586], %swap3A_589 {strides = array<i32>} : memref<200x64xf32, #tpu.memory_space<vmem>>, vector<1x16xf32>,
        %add3A_590 = arith.constant 5 : i32
        %add3A_591 = arith.addi %mul3A_131, %add3A_590 : i32
        %get3A_592 = arith.index_cast %add3A_591 : i32 to index
        %get3A_593 = arith.constant 48 : index
        %get3A_594 = tpu.vector_load %arg8[%get3A_592, %get3A_593] {strides = array<i32>} : memref<200x64xf32, #tpu.memory_space<vmem>>, vector<1x16xf32>,
        %get3A_595 = vector.shape_cast %get3A_594 : vector<1x16xf32> to vector<16xf32>
        %add3A_596 = arith.constant 5 : i32
        %add3A_597 = arith.addi %mul3A_131, %add3A_596 : i32
        %get3A_598 = arith.index_cast %add3A_597 : i32 to index
        %get3A_599 = arith.constant 48 : index
        %get3A_600 = tpu.vector_load %arg6[%get3A_598, %get3A_599] {strides = array<i32>} : memref<200x64xf32, #tpu.memory_space<vmem>>, vector<1x16xf32>,
        %get3A_601 = vector.shape_cast %get3A_600 : vector<1x16xf32> to vector<16xf32>
        %add3A_602 = arith.addf %get3A_595, %get3A_601 : vector<16xf32>
        %add3A_603 = arith.constant 5 : i32
        %add3A_604 = arith.addi %mul3A_131, %add3A_603 : i32
        %swap3A_605 = arith.index_cast %add3A_604 : i32 to index
        %swap3A_606 = arith.constant 48 : index
        %swap3A_607 = tpu.vector_load %arg10[%swap3A_605, %swap3A_606] {strides = array<i32>} : memref<200x64xf32, #tpu.memory_space<vmem>>, vector<1x16xf32>,
        %swap3A_608 = vector.shape_cast %swap3A_607 : vector<1x16xf32> to vector<16xf32>
        %swap3A_609 = vector.shape_cast %add3A_602 : vector<16xf32> to vector<1x16xf32>
        tpu.vector_store %arg10[%swap3A_605, %swap3A_606], %swap3A_609 {strides = array<i32>} : memref<200x64xf32, #tpu.memory_space<vmem>>, vector<1x16xf32>,
        %add3A_610 = arith.constant 6 : i32
        %add3A_611 = arith.addi %mul3A_131, %add3A_610 : i32
        %get3A_612 = arith.index_cast %add3A_611 : i32 to index
        %get3A_613 = arith.constant 0 : index
        %get3A_614 = tpu.vector_load %arg8[%get3A_612, %get3A_613] {strides = array<i32>} : memref<200x64xf32, #tpu.memory_space<vmem>>, vector<1x16xf32>,
        %get3A_615 = vector.shape_cast %get3A_614 : vector<1x16xf32> to vector<16xf32>
        %add3A_616 = arith.constant 6 : i32
        %add3A_617 = arith.addi %mul3A_131, %add3A_616 : i32
        %get3A_618 = arith.index_cast %add3A_617 : i32 to index
        %get3A_619 = arith.constant 0 : index
        %get3A_620 = tpu.vector_load %arg6[%get3A_618, %get3A_619] {strides = array<i32>} : memref<200x64xf32, #tpu.memory_space<vmem>>, vector<1x16xf32>,
        %get3A_621 = vector.shape_cast %get3A_620 : vector<1x16xf32> to vector<16xf32>
        %add3A_622 = arith.addf %get3A_615, %get3A_621 : vector<16xf32>
        %add3A_623 = arith.constant 6 : i32
        %add3A_624 = arith.addi %mul3A_131, %add3A_623 : i32
        %swap3A_625 = arith.index_cast %add3A_624 : i32 to index
        %swap3A_626 = arith.constant 0 : index
        %swap3A_627 = tpu.vector_load %arg10[%swap3A_625, %swap3A_626] {strides = array<i32>} : memref<200x64xf32, #tpu.memory_space<vmem>>, vector<1x16xf32>,
        %swap3A_628 = vector.shape_cast %swap3A_627 : vector<1x16xf32> to vector<16xf32>
        %swap3A_629 = vector.shape_cast %add3A_622 : vector<16xf32> to vector<1x16xf32>
        tpu.vector_store %arg10[%swap3A_625, %swap3A_626], %swap3A_629 {strides = array<i32>} : memref<200x64xf32, #tpu.memory_space<vmem>>, vector<1x16xf32>,
        %add3A_630 = arith.constant 6 : i32
        %add3A_631 = arith.addi %mul3A_131, %add3A_630 : i32
        %get3A_632 = arith.index_cast %add3A_631 : i32 to index
        %get3A_633 = arith.constant 16 : index
        %get3A_634 = tpu.vector_load %arg8[%get3A_632, %get3A_633] {strides = array<i32>} : memref<200x64xf32, #tpu.memory_space<vmem>>, vector<1x16xf32>,
        %get3A_635 = vector.shape_cast %get3A_634 : vector<1x16xf32> to vector<16xf32>
        %add3A_636 = arith.constant 6 : i32
        %add3A_637 = arith.addi %mul3A_131, %add3A_636 : i32
        %get3A_638 = arith.index_cast %add3A_637 : i32 to index
        %get3A_639 = arith.constant 16 : index
        %get3A_640 = tpu.vector_load %arg6[%get3A_638, %get3A_639] {strides = array<i32>} : memref<200x64xf32, #tpu.memory_space<vmem>>, vector<1x16xf32>,
        %get3A_641 = vector.shape_cast %get3A_640 : vector<1x16xf32> to vector<16xf32>
        %add3A_642 = arith.addf %get3A_635, %get3A_641 : vector<16xf32>
        %add3A_643 = arith.constant 6 : i32
        %add3A_644 = arith.addi %mul3A_131, %add3A_643 : i32
        %swap3A_645 = arith.index_cast %add3A_644 : i32 to index
        %swap3A_646 = arith.constant 16 : index
        %swap3A_647 = tpu.vector_load %arg10[%swap3A_645, %swap3A_646] {strides = array<i32>} : memref<200x64xf32, #tpu.memory_space<vmem>>, vector<1x16xf32>,
        %swap3A_648 = vector.shape_cast %swap3A_647 : vector<1x16xf32> to vector<16xf32>
        %swap3A_649 = vector.shape_cast %add3A_642 : vector<16xf32> to vector<1x16xf32>
        tpu.vector_store %arg10[%swap3A_645, %swap3A_646], %swap3A_649 {strides = array<i32>} : memref<200x64xf32, #tpu.memory_space<vmem>>, vector<1x16xf32>,
        %add3A_650 = arith.constant 6 : i32
        %add3A_651 = arith.addi %mul3A_131, %add3A_650 : i32
        %get3A_652 = arith.index_cast %add3A_651 : i32 to index
        %get3A_653 = arith.constant 32 : index
        %get3A_654 = tpu.vector_load %arg8[%get3A_652, %get3A_653] {strides = array<i32>} : memref<200x64xf32, #tpu.memory_space<vmem>>, vector<1x16xf32>,
        %get3A_655 = vector.shape_cast %get3A_654 : vector<1x16xf32> to vector<16xf32>
        %add3A_656 = arith.constant 6 : i32
        %add3A_657 = arith.addi %mul3A_131, %add3A_656 : i32
        %get3A_658 = arith.index_cast %add3A_657 : i32 to index
        %get3A_659 = arith.constant 32 : index
        %get3A_660 = tpu.vector_load %arg6[%get3A_658, %get3A_659] {strides = array<i32>} : memref<200x64xf32, #tpu.memory_space<vmem>>, vector<1x16xf32>,
        %get3A_661 = vector.shape_cast %get3A_660 : vector<1x16xf32> to vector<16xf32>
        %add3A_662 = arith.addf %get3A_655, %get3A_661 : vector<16xf32>
        %add3A_663 = arith.constant 6 : i32
        %add3A_664 = arith.addi %mul3A_131, %add3A_663 : i32
        %swap3A_665 = arith.index_cast %add3A_664 : i32 to index
        %swap3A_666 = arith.constant 32 : index
        %swap3A_667 = tpu.vector_load %arg10[%swap3A_665, %swap3A_666] {strides = array<i32>} : memref<200x64xf32, #tpu.memory_space<vmem>>, vector<1x16xf32>,
        %swap3A_668 = vector.shape_cast %swap3A_667 : vector<1x16xf32> to vector<16xf32>
        %swap3A_669 = vector.shape_cast %add3A_662 : vector<16xf32> to vector<1x16xf32>
        tpu.vector_store %arg10[%swap3A_665, %swap3A_666], %swap3A_669 {strides = array<i32>} : memref<200x64xf32, #tpu.memory_space<vmem>>, vector<1x16xf32>,
        %add3A_670 = arith.constant 6 : i32
        %add3A_671 = arith.addi %mul3A_131, %add3A_670 : i32
        %get3A_672 = arith.index_cast %add3A_671 : i32 to index
        %get3A_673 = arith.constant 48 : index
        %get3A_674 = tpu.vector_load %arg8[%get3A_672, %get3A_673] {strides = array<i32>} : memref<200x64xf32, #tpu.memory_space<vmem>>, vector<1x16xf32>,
        %get3A_675 = vector.shape_cast %get3A_674 : vector<1x16xf32> to vector<16xf32>
        %add3A_676 = arith.constant 6 : i32
        %add3A_677 = arith.addi %mul3A_131, %add3A_676 : i32
        %get3A_678 = arith.index_cast %add3A_677 : i32 to index
        %get3A_679 = arith.constant 48 : index
        %get3A_680 = tpu.vector_load %arg6[%get3A_678, %get3A_679] {strides = array<i32>} : memref<200x64xf32, #tpu.memory_space<vmem>>, vector<1x16xf32>,
        %get3A_681 = vector.shape_cast %get3A_680 : vector<1x16xf32> to vector<16xf32>
        %add3A_682 = arith.addf %get3A_675, %get3A_681 : vector<16xf32>
        %add3A_683 = arith.constant 6 : i32
        %add3A_684 = arith.addi %mul3A_131, %add3A_683 : i32
        %swap3A_685 = arith.index_cast %add3A_684 : i32 to index
        %swap3A_686 = arith.constant 48 : index
        %swap3A_687 = tpu.vector_load %arg10[%swap3A_685, %swap3A_686] {strides = array<i32>} : memref<200x64xf32, #tpu.memory_space<vmem>>, vector<1x16xf32>,
        %swap3A_688 = vector.shape_cast %swap3A_687 : vector<1x16xf32> to vector<16xf32>
        %swap3A_689 = vector.shape_cast %add3A_682 : vector<16xf32> to vector<1x16xf32>
        tpu.vector_store %arg10[%swap3A_685, %swap3A_686], %swap3A_689 {strides = array<i32>} : memref<200x64xf32, #tpu.memory_space<vmem>>, vector<1x16xf32>,
        %add3A_690 = arith.constant 7 : i32
        %add3A_691 = arith.addi %mul3A_131, %add3A_690 : i32
        %get3A_692 = arith.index_cast %add3A_691 : i32 to index
        %get3A_693 = arith.constant 0 : index
        %get3A_694 = tpu.vector_load %arg8[%get3A_692, %get3A_693] {strides = array<i32>} : memref<200x64xf32, #tpu.memory_space<vmem>>, vector<1x16xf32>,
        %get3A_695 = vector.shape_cast %get3A_694 : vector<1x16xf32> to vector<16xf32>
        %add3A_696 = arith.constant 7 : i32
        %add3A_697 = arith.addi %mul3A_131, %add3A_696 : i32
        %get3A_698 = arith.index_cast %add3A_697 : i32 to index
        %get3A_699 = arith.constant 0 : index
        %get3A_700 = tpu.vector_load %arg6[%get3A_698, %get3A_699] {strides = array<i32>} : memref<200x64xf32, #tpu.memory_space<vmem>>, vector<1x16xf32>,
        %get3A_701 = vector.shape_cast %get3A_700 : vector<1x16xf32> to vector<16xf32>
        %add3A_702 = arith.addf %get3A_695, %get3A_701 : vector<16xf32>
        %add3A_703 = arith.constant 7 : i32
        %add3A_704 = arith.addi %mul3A_131, %add3A_703 : i32
        %swap3A_705 = arith.index_cast %add3A_704 : i32 to index
        %swap3A_706 = arith.constant 0 : index
        %swap3A_707 = tpu.vector_load %arg10[%swap3A_705, %swap3A_706] {strides = array<i32>} : memref<200x64xf32, #tpu.memory_space<vmem>>, vector<1x16xf32>,
        %swap3A_708 = vector.shape_cast %swap3A_707 : vector<1x16xf32> to vector<16xf32>
        %swap3A_709 = vector.shape_cast %add3A_702 : vector<16xf32> to vector<1x16xf32>
        tpu.vector_store %arg10[%swap3A_705, %swap3A_706], %swap3A_709 {strides = array<i32>} : memref<200x64xf32, #tpu.memory_space<vmem>>, vector<1x16xf32>,
        %add3A_710 = arith.constant 7 : i32
        %add3A_711 = arith.addi %mul3A_131, %add3A_710 : i32
        %get3A_712 = arith.index_cast %add3A_711 : i32 to index
        %get3A_713 = arith.constant 16 : index
        %get3A_714 = tpu.vector_load %arg8[%get3A_712, %get3A_713] {strides = array<i32>} : memref<200x64xf32, #tpu.memory_space<vmem>>, vector<1x16xf32>,
        %get3A_715 = vector.shape_cast %get3A_714 : vector<1x16xf32> to vector<16xf32>
        %add3A_716 = arith.constant 7 : i32
        %add3A_717 = arith.addi %mul3A_131, %add3A_716 : i32
        %get3A_718 = arith.index_cast %add3A_717 : i32 to index
        %get3A_719 = arith.constant 16 : index
        %get3A_720 = tpu.vector_load %arg6[%get3A_718, %get3A_719] {strides = array<i32>} : memref<200x64xf32, #tpu.memory_space<vmem>>, vector<1x16xf32>,
        %get3A_721 = vector.shape_cast %get3A_720 : vector<1x16xf32> to vector<16xf32>
        %add3A_722 = arith.addf %get3A_715, %get3A_721 : vector<16xf32>
        %add3A_723 = arith.constant 7 : i32
        %add3A_724 = arith.addi %mul3A_131, %add3A_723 : i32
        %swap3A_725 = arith.index_cast %add3A_724 : i32 to index
        %swap3A_726 = arith.constant 16 : index
        %swap3A_727 = tpu.vector_load %arg10[%swap3A_725, %swap3A_726] {strides = array<i32>} : memref<200x64xf32, #tpu.memory_space<vmem>>, vector<1x16xf32>,
        %swap3A_728 = vector.shape_cast %swap3A_727 : vector<1x16xf32> to vector<16xf32>
        %swap3A_729 = vector.shape_cast %add3A_722 : vector<16xf32> to vector<1x16xf32>
        tpu.vector_store %arg10[%swap3A_725, %swap3A_726], %swap3A_729 {strides = array<i32>} : memref<200x64xf32, #tpu.memory_space<vmem>>, vector<1x16xf32>,
        %add3A_730 = arith.constant 7 : i32
        %add3A_731 = arith.addi %mul3A_131, %add3A_730 : i32
        %get3A_732 = arith.index_cast %add3A_731 : i32 to index
        %get3A_733 = arith.constant 32 : index
        %get3A_734 = tpu.vector_load %arg8[%get3A_732, %get3A_733] {strides = array<i32>} : memref<200x64xf32, #tpu.memory_space<vmem>>, vector<1x16xf32>,
        %get3A_735 = vector.shape_cast %get3A_734 : vector<1x16xf32> to vector<16xf32>
        %add3A_736 = arith.constant 7 : i32
        %add3A_737 = arith.addi %mul3A_131, %add3A_736 : i32
        %get3A_738 = arith.index_cast %add3A_737 : i32 to index
        %get3A_739 = arith.constant 32 : index
        %get3A_740 = tpu.vector_load %arg6[%get3A_738, %get3A_739] {strides = array<i32>} : memref<200x64xf32, #tpu.memory_space<vmem>>, vector<1x16xf32>,
        %get3A_741 = vector.shape_cast %get3A_740 : vector<1x16xf32> to vector<16xf32>
        %add3A_742 = arith.addf %get3A_735, %get3A_741 : vector<16xf32>
        %add3A_743 = arith.constant 7 : i32
        %add3A_744 = arith.addi %mul3A_131, %add3A_743 : i32
        %swap3A_745 = arith.index_cast %add3A_744 : i32 to index
        %swap3A_746 = arith.constant 32 : index
        %swap3A_747 = tpu.vector_load %arg10[%swap3A_745, %swap3A_746] {strides = array<i32>} : memref<200x64xf32, #tpu.memory_space<vmem>>, vector<1x16xf32>,
        %swap3A_748 = vector.shape_cast %swap3A_747 : vector<1x16xf32> to vector<16xf32>
        %swap3A_749 = vector.shape_cast %add3A_742 : vector<16xf32> to vector<1x16xf32>
        tpu.vector_store %arg10[%swap3A_745, %swap3A_746], %swap3A_749 {strides = array<i32>} : memref<200x64xf32, #tpu.memory_space<vmem>>, vector<1x16xf32>,
        %add3A_750 = arith.constant 7 : i32
        %add3A_751 = arith.addi %mul3A_131, %add3A_750 : i32
        %get3A_752 = arith.index_cast %add3A_751 : i32 to index
        %get3A_753 = arith.constant 48 : index
        %get3A_754 = tpu.vector_load %arg8[%get3A_752, %get3A_753] {strides = array<i32>} : memref<200x64xf32, #tpu.memory_space<vmem>>, vector<1x16xf32>,
        %get3A_755 = vector.shape_cast %get3A_754 : vector<1x16xf32> to vector<16xf32>
        %add3A_756 = arith.constant 7 : i32
        %add3A_757 = arith.addi %mul3A_131, %add3A_756 : i32
        %get3A_758 = arith.index_cast %add3A_757 : i32 to index
        %get3A_759 = arith.constant 48 : index
        %get3A_760 = tpu.vector_load %arg6[%get3A_758, %get3A_759] {strides = array<i32>} : memref<200x64xf32, #tpu.memory_space<vmem>>, vector<1x16xf32>,
        %get3A_761 = vector.shape_cast %get3A_760 : vector<1x16xf32> to vector<16xf32>
        %add3A_762 = arith.addf %get3A_755, %get3A_761 : vector<16xf32>
        %add3A_763 = arith.constant 7 : i32
        %add3A_764 = arith.addi %mul3A_131, %add3A_763 : i32
        %swap3A_765 = arith.index_cast %add3A_764 : i32 to index
        %swap3A_766 = arith.constant 48 : index
        %swap3A_767 = tpu.vector_load %arg10[%swap3A_765, %swap3A_766] {strides = array<i32>} : memref<200x64xf32, #tpu.memory_space<vmem>>, vector<1x16xf32>,
        %swap3A_768 = vector.shape_cast %swap3A_767 : vector<1x16xf32> to vector<16xf32>
        %swap3A_769 = vector.shape_cast %add3A_762 : vector<16xf32> to vector<1x16xf32>
        tpu.vector_store %arg10[%swap3A_765, %swap3A_766], %swap3A_769 {strides = array<i32>} : memref<200x64xf32, #tpu.memory_space<vmem>>, vector<1x16xf32>,
      }
      %scan3A_74 = arith.constant 25 : i32
      %add3A_75 = arith.addi %mul3A_2, %add3A_42 : i32
      %mul3A_76 = arith.constant 200 : i32
      %mul3A_77 = arith.muli %add3A_75, %mul3A_76 : i32
      %dma_start3A_78 = arith.constant 0 : i32
      %dma_start3A_79 = tpu.memref_slice %arg5[%mul3A_77, %dma_start3A_78] : memref<819200x128xf32, #tpu.memory_space<hbm>> -> memref<200x64xf32, #tpu.memory_space<hbm>>
      %dma_start3A_80 = arith.constant 0 : i32
      %dma_start3A_81 = tpu.memref_slice %arg5[%mul3A_77, %dma_start3A_80] : memref<819200x128xf32, #tpu.memory_space<hbm>> -> memref<200x64xf32, #tpu.memory_space<hbm>>
      tpu.enqueue_dma source(%arg10 : memref<200x64xf32, #tpu.memory_space<vmem>>) target(%dma_start3A_81 : memref<200x64xf32, #tpu.memory_space<hbm>>) target_semaphore(%arg14 : memref<!tpu.dma_semaphore, #tpu.memory_space<semaphore_mem>>)
      %mul3A_82 = arith.constant 2 : i32
      %mul3A_83 = arith.muli %mul3A_82, %scan3A_38 : i32
      %add3A_84 = arith.constant 1 : i32
      %add3A_85 = arith.addi %mul3A_83, %add3A_84 : i32
      %lt3A_86 = arith.constant 127 : i32
      %lt3A_87 = arith.cmpi slt, %add3A_85, %lt3A_86 : i32
      %convert_element_type3A_88 = arith.extui %lt3A_87 : i1 to i32
      %cond3A_89 = arith.constant 0 : i32
      %cond3A_90 = arith.cmpi ne, %convert_element_type3A_88, %cond3A_89 : i32
      scf.if %cond3A_90 {
        %add3A_129 = arith.constant 1 : i32
        %add3A_130 = arith.addi %add3A_85, %add3A_129 : i32
        %dma_start3A_131 = arith.constant 0 : i32
        %dma_start3A_132 = arith.constant 0 : i32
        %dma_start3A_133 = tpu.memref_slice %arg8[%dma_start3A_131, %dma_start3A_132] : memref<200x64xf32, #tpu.memory_space<vmem>> -> memref<104x64xf32, #tpu.memory_space<vmem>>
        %dma_start3A_134 = arith.constant 0 : i32
        %dma_start3A_135 = tpu.memref_slice %arg7[%add3A_130, %dma_start3A_134] : memref<128x200xi32, #tpu.memory_space<vmem>> -> memref<1x104xi32, #tpu.memory_space<vmem>>
        %dma_start3A_136 = tpu.memref_squeeze %dma_start3A_135 : memref<1x104xi32, #tpu.memory_space<vmem>> -> memref<104xi32, #tpu.memory_space<vmem>>
        %dma_start3A_137 = arith.constant 0 : i32
        %dma_start3A_138 = arith.constant 0 : i32
        %dma_start3A_139 = tpu.memref_slice %arg4[%dma_start3A_137, %dma_start3A_138] : memref<100000x64xf32, #tpu.memory_space<hbm>> -> memref<100000x64xf32, #tpu.memory_space<hbm>>
        tpu.enqueue_indirect_dma source(%dma_start3A_139 : memref<100000x64xf32, #tpu.memory_space<hbm>>) target(%dma_start3A_133 : memref<104x64xf32, #tpu.memory_space<vmem>>) offsets(%dma_start3A_136 : memref<104xi32, #tpu.memory_space<vmem>>) semaphore(%arg12 : memref<!tpu.dma_semaphore, #tpu.memory_space<semaphore_mem>>)
        %dma_start3A_140 = arith.constant 104 : i32
        %dma_start3A_141 = arith.constant 0 : i32
        %dma_start3A_142 = tpu.memref_slice %arg8[%dma_start3A_140, %dma_start3A_141] : memref<200x64xf32, #tpu.memory_space<vmem>> -> memref<96x64xf32, #tpu.memory_space<vmem>>
        %dma_start3A_143 = arith.constant 104 : i32
        %dma_start3A_144 = tpu.memref_slice %arg7[%add3A_130, %dma_start3A_143] : memref<128x200xi32, #tpu.memory_space<vmem>> -> memref<1x96xi32, #tpu.memory_space<vmem>>
        %dma_start3A_145 = tpu.memref_squeeze %dma_start3A_144 : memref<1x96xi32, #tpu.memory_space<vmem>> -> memref<96xi32, #tpu.memory_space<vmem>>
        %dma_start3A_146 = arith.constant 0 : i32
        %dma_start3A_147 = arith.constant 0 : i32
        %dma_start3A_148 = tpu.memref_slice %arg4[%dma_start3A_146, %dma_start3A_147] : memref<100000x64xf32, #tpu.memory_space<hbm>> -> memref<100000x64xf32, #tpu.memory_space<hbm>>
        tpu.enqueue_indirect_dma source(%dma_start3A_148 : memref<100000x64xf32, #tpu.memory_space<hbm>>) target(%dma_start3A_142 : memref<96x64xf32, #tpu.memory_space<vmem>>) offsets(%dma_start3A_145 : memref<96xi32, #tpu.memory_space<vmem>>) semaphore(%arg12 : memref<!tpu.dma_semaphore, #tpu.memory_space<semaphore_mem>>)
      } else {
      }
      %dma_wait3A_91 = arith.constant 0 : i32
      %dma_wait3A_92 = arith.constant 0 : i32
      %dma_wait3A_93 = arith.constant 0 : i32
      %dma_wait3A_94 = tpu.memref_slice %arg9[%dma_wait3A_92, %dma_wait3A_93] : memref<200x64xf32, #tpu.memory_space<vmem>> -> memref<104x64xf32, #tpu.memory_space<vmem>>
      %dma_wait3A_95 = arith.constant 0 : i32
      %dma_wait3A_96 = tpu.memref_slice %arg7[%dma_wait3A_91, %dma_wait3A_95] : memref<128x200xi32, #tpu.memory_space<vmem>> -> memref<1x104xi32, #tpu.memory_space<vmem>>
      %dma_wait3A_97 = tpu.memref_squeeze %dma_wait3A_96 : memref<1x104xi32, #tpu.memory_space<vmem>> -> memref<104xi32, #tpu.memory_space<vmem>>
      %dma_wait3A_98 = arith.constant 0 : i32
      %dma_wait3A_99 = arith.constant 0 : i32
      %dma_wait3A_100 = tpu.memref_slice %arg4[%dma_wait3A_98, %dma_wait3A_99] : memref<100000x64xf32, #tpu.memory_space<hbm>> -> memref<100000x64xf32, #tpu.memory_space<hbm>>
      tpu.wait_indirect_dma semaphore(%arg13 : memref<!tpu.dma_semaphore, #tpu.memory_space<semaphore_mem>>) src(%dma_wait3A_100 : memref<100000x64xf32, #tpu.memory_space<hbm>>) dst(%dma_wait3A_94 : memref<104x64xf32, #tpu.memory_space<vmem>>)
      %dma_wait3A_101 = arith.constant 0 : i32
      %dma_wait3A_102 = arith.constant 104 : i32
      %dma_wait3A_103 = arith.constant 0 : i32
      %dma_wait3A_104 = tpu.memref_slice %arg9[%dma_wait3A_102, %dma_wait3A_103] : memref<200x64xf32, #tpu.memory_space<vmem>> -> memref<96x64xf32, #tpu.memory_space<vmem>>
      %dma_wait3A_105 = arith.constant 104 : i32
      %dma_wait3A_106 = tpu.memref_slice %arg7[%dma_wait3A_101, %dma_wait3A_105] : memref<128x200xi32, #tpu.memory_space<vmem>> -> memref<1x96xi32, #tpu.memory_space<vmem>>
      %dma_wait3A_107 = tpu.memref_squeeze %dma_wait3A_106 : memref<1x96xi32, #tpu.memory_space<vmem>> -> memref<96xi32, #tpu.memory_space<vmem>>
      %dma_wait3A_108 = arith.constant 0 : i32
      %dma_wait3A_109 = arith.constant 0 : i32
      %dma_wait3A_110 = tpu.memref_slice %arg4[%dma_wait3A_108, %dma_wait3A_109] : memref<100000x64xf32, #tpu.memory_space<hbm>> -> memref<100000x64xf32, #tpu.memory_space<hbm>>
      tpu.wait_indirect_dma semaphore(%arg13 : memref<!tpu.dma_semaphore, #tpu.memory_space<semaphore_mem>>) src(%dma_wait3A_110 : memref<100000x64xf32, #tpu.memory_space<hbm>>) dst(%dma_wait3A_104 : memref<96x64xf32, #tpu.memory_space<vmem>>)
      %gt3A_111 = arith.constant 1 : i32
      %gt3A_112 = arith.cmpi sgt, %add3A_85, %gt3A_111 : i32
      %convert_element_type3A_113 = arith.extui %gt3A_112 : i1 to i32
      %cond3A_114 = arith.constant 0 : i32
      %cond3A_115 = arith.cmpi ne, %convert_element_type3A_113, %cond3A_114 : i32
      scf.if %cond3A_115 {
        %mul3A_129 = arith.constant 200 : i32
        %mul3A_130 = arith.muli %mul3A_2, %mul3A_129 : i32
        %dma_wait3A_131 = arith.constant 0 : i32
        %dma_wait3A_132 = tpu.memref_slice %arg5[%mul3A_130, %dma_wait3A_131] : memref<819200x128xf32, #tpu.memory_space<hbm>> -> memref<200x64xf32, #tpu.memory_space<hbm>>
        %dma_wait3A_133 = arith.constant 0 : i32
        %dma_wait3A_134 = tpu.memref_slice %arg5[%mul3A_130, %dma_wait3A_133] : memref<819200x128xf32, #tpu.memory_space<hbm>> -> memref<200x64xf32, #tpu.memory_space<hbm>>
        tpu.wait_dma2 semaphore(%arg15 : memref<!tpu.dma_semaphore, #tpu.memory_space<semaphore_mem>>) src(%arg11 : memref<200x64xf32, #tpu.memory_space<vmem>>) dst(%dma_wait3A_134 : memref<200x64xf32, #tpu.memory_space<hbm>>)
      } else {
      }
      %scan3A_116 = arith.constant 0 : i32
      %scan3A_117 = arith.constant 0 : i32
      %scan3A_118 = arith.constant 25 : i32
      %scan3A_119 = arith.addi %scan3A_117, %scan3A_118 : i32
      %scan3A_120 = arith.constant 1 : i32
      scf.for %scan3A_129 = %scan3A_117 to %scan3A_119 step %scan3A_120  : i32 {
        %mul3A_130 = arith.constant 8 : i32
        %mul3A_131 = arith.muli %scan3A_129, %mul3A_130 : i32
        %add3A_132 = arith.constant 0 : i32
        %add3A_133 = arith.addi %mul3A_131, %add3A_132 : i32
        %get3A = arith.index_cast %add3A_133 : i32 to index
        %get3A_134 = arith.constant 0 : index
        %get3A_135 = tpu.vector_load %arg9[%get3A, %get3A_134] {strides = array<i32>} : memref<200x64xf32, #tpu.memory_space<vmem>>, vector<1x16xf32>,
        %get3A_136 = vector.shape_cast %get3A_135 : vector<1x16xf32> to vector<16xf32>
        %add3A_137 = arith.constant 0 : i32
        %add3A_138 = arith.addi %mul3A_131, %add3A_137 : i32
        %get3A_139 = arith.index_cast %add3A_138 : i32 to index
        %get3A_140 = arith.constant 0 : index
        %get3A_141 = tpu.vector_load %arg6[%get3A_139, %get3A_140] {strides = array<i32>} : memref<200x64xf32, #tpu.memory_space<vmem>>, vector<1x16xf32>,
        %get3A_142 = vector.shape_cast %get3A_141 : vector<1x16xf32> to vector<16xf32>
        %add3A_143 = arith.addf %get3A_136, %get3A_142 : vector<16xf32>
        %add3A_144 = arith.constant 0 : i32
        %add3A_145 = arith.addi %mul3A_131, %add3A_144 : i32
        %swap3A = arith.index_cast %add3A_145 : i32 to index
        %swap3A_146 = arith.constant 0 : index
        %swap3A_147 = tpu.vector_load %arg11[%swap3A, %swap3A_146] {strides = array<i32>} : memref<200x64xf32, #tpu.memory_space<vmem>>, vector<1x16xf32>,
        %swap3A_148 = vector.shape_cast %swap3A_147 : vector<1x16xf32> to vector<16xf32>
        %swap3A_149 = vector.shape_cast %add3A_143 : vector<16xf32> to vector<1x16xf32>
        tpu.vector_store %arg11[%swap3A, %swap3A_146], %swap3A_149 {strides = array<i32>} : memref<200x64xf32, #tpu.memory_space<vmem>>, vector<1x16xf32>,
        %add3A_150 = arith.constant 0 : i32
        %add3A_151 = arith.addi %mul3A_131, %add3A_150 : i32
        %get3A_152 = arith.index_cast %add3A_151 : i32 to index
        %get3A_153 = arith.constant 16 : index
        %get3A_154 = tpu.vector_load %arg9[%get3A_152, %get3A_153] {strides = array<i32>} : memref<200x64xf32, #tpu.memory_space<vmem>>, vector<1x16xf32>,
        %get3A_155 = vector.shape_cast %get3A_154 : vector<1x16xf32> to vector<16xf32>
        %add3A_156 = arith.constant 0 : i32
        %add3A_157 = arith.addi %mul3A_131, %add3A_156 : i32
        %get3A_158 = arith.index_cast %add3A_157 : i32 to index
        %get3A_159 = arith.constant 16 : index
        %get3A_160 = tpu.vector_load %arg6[%get3A_158, %get3A_159] {strides = array<i32>} : memref<200x64xf32, #tpu.memory_space<vmem>>, vector<1x16xf32>,
        %get3A_161 = vector.shape_cast %get3A_160 : vector<1x16xf32> to vector<16xf32>
        %add3A_162 = arith.addf %get3A_155, %get3A_161 : vector<16xf32>
        %add3A_163 = arith.constant 0 : i32
        %add3A_164 = arith.addi %mul3A_131, %add3A_163 : i32
        %swap3A_165 = arith.index_cast %add3A_164 : i32 to index
        %swap3A_166 = arith.constant 16 : index
        %swap3A_167 = tpu.vector_load %arg11[%swap3A_165, %swap3A_166] {strides = array<i32>} : memref<200x64xf32, #tpu.memory_space<vmem>>, vector<1x16xf32>,
        %swap3A_168 = vector.shape_cast %swap3A_167 : vector<1x16xf32> to vector<16xf32>
        %swap3A_169 = vector.shape_cast %add3A_162 : vector<16xf32> to vector<1x16xf32>
        tpu.vector_store %arg11[%swap3A_165, %swap3A_166], %swap3A_169 {strides = array<i32>} : memref<200x64xf32, #tpu.memory_space<vmem>>, vector<1x16xf32>,
        %add3A_170 = arith.constant 0 : i32
        %add3A_171 = arith.addi %mul3A_131, %add3A_170 : i32
        %get3A_172 = arith.index_cast %add3A_171 : i32 to index
        %get3A_173 = arith.constant 32 : index
        %get3A_174 = tpu.vector_load %arg9[%get3A_172, %get3A_173] {strides = array<i32>} : memref<200x64xf32, #tpu.memory_space<vmem>>, vector<1x16xf32>,
        %get3A_175 = vector.shape_cast %get3A_174 : vector<1x16xf32> to vector<16xf32>
        %add3A_176 = arith.constant 0 : i32
        %add3A_177 = arith.addi %mul3A_131, %add3A_176 : i32
        %get3A_178 = arith.index_cast %add3A_177 : i32 to index
        %get3A_179 = arith.constant 32 : index
        %get3A_180 = tpu.vector_load %arg6[%get3A_178, %get3A_179] {strides = array<i32>} : memref<200x64xf32, #tpu.memory_space<vmem>>, vector<1x16xf32>,
        %get3A_181 = vector.shape_cast %get3A_180 : vector<1x16xf32> to vector<16xf32>
        %add3A_182 = arith.addf %get3A_175, %get3A_181 : vector<16xf32>
        %add3A_183 = arith.constant 0 : i32
        %add3A_184 = arith.addi %mul3A_131, %add3A_183 : i32
        %swap3A_185 = arith.index_cast %add3A_184 : i32 to index
        %swap3A_186 = arith.constant 32 : index
        %swap3A_187 = tpu.vector_load %arg11[%swap3A_185, %swap3A_186] {strides = array<i32>} : memref<200x64xf32, #tpu.memory_space<vmem>>, vector<1x16xf32>,
        %swap3A_188 = vector.shape_cast %swap3A_187 : vector<1x16xf32> to vector<16xf32>
        %swap3A_189 = vector.shape_cast %add3A_182 : vector<16xf32> to vector<1x16xf32>
        tpu.vector_store %arg11[%swap3A_185, %swap3A_186], %swap3A_189 {strides = array<i32>} : memref<200x64xf32, #tpu.memory_space<vmem>>, vector<1x16xf32>,
        %add3A_190 = arith.constant 0 : i32
        %add3A_191 = arith.addi %mul3A_131, %add3A_190 : i32
        %get3A_192 = arith.index_cast %add3A_191 : i32 to index
        %get3A_193 = arith.constant 48 : index
        %get3A_194 = tpu.vector_load %arg9[%get3A_192, %get3A_193] {strides = array<i32>} : memref<200x64xf32, #tpu.memory_space<vmem>>, vector<1x16xf32>,
        %get3A_195 = vector.shape_cast %get3A_194 : vector<1x16xf32> to vector<16xf32>
        %add3A_196 = arith.constant 0 : i32
        %add3A_197 = arith.addi %mul3A_131, %add3A_196 : i32
        %get3A_198 = arith.index_cast %add3A_197 : i32 to index
        %get3A_199 = arith.constant 48 : index
        %get3A_200 = tpu.vector_load %arg6[%get3A_198, %get3A_199] {strides = array<i32>} : memref<200x64xf32, #tpu.memory_space<vmem>>, vector<1x16xf32>,
        %get3A_201 = vector.shape_cast %get3A_200 : vector<1x16xf32> to vector<16xf32>
        %add3A_202 = arith.addf %get3A_195, %get3A_201 : vector<16xf32>
        %add3A_203 = arith.constant 0 : i32
        %add3A_204 = arith.addi %mul3A_131, %add3A_203 : i32
        %swap3A_205 = arith.index_cast %add3A_204 : i32 to index
        %swap3A_206 = arith.constant 48 : index
        %swap3A_207 = tpu.vector_load %arg11[%swap3A_205, %swap3A_206] {strides = array<i32>} : memref<200x64xf32, #tpu.memory_space<vmem>>, vector<1x16xf32>,
        %swap3A_208 = vector.shape_cast %swap3A_207 : vector<1x16xf32> to vector<16xf32>
        %swap3A_209 = vector.shape_cast %add3A_202 : vector<16xf32> to vector<1x16xf32>
        tpu.vector_store %arg11[%swap3A_205, %swap3A_206], %swap3A_209 {strides = array<i32>} : memref<200x64xf32, #tpu.memory_space<vmem>>, vector<1x16xf32>,
        %add3A_210 = arith.constant 1 : i32
        %add3A_211 = arith.addi %mul3A_131, %add3A_210 : i32
        %get3A_212 = arith.index_cast %add3A_211 : i32 to index
        %get3A_213 = arith.constant 0 : index
        %get3A_214 = tpu.vector_load %arg9[%get3A_212, %get3A_213] {strides = array<i32>} : memref<200x64xf32, #tpu.memory_space<vmem>>, vector<1x16xf32>,
        %get3A_215 = vector.shape_cast %get3A_214 : vector<1x16xf32> to vector<16xf32>
        %add3A_216 = arith.constant 1 : i32
        %add3A_217 = arith.addi %mul3A_131, %add3A_216 : i32
        %get3A_218 = arith.index_cast %add3A_217 : i32 to index
        %get3A_219 = arith.constant 0 : index
        %get3A_220 = tpu.vector_load %arg6[%get3A_218, %get3A_219] {strides = array<i32>} : memref<200x64xf32, #tpu.memory_space<vmem>>, vector<1x16xf32>,
        %get3A_221 = vector.shape_cast %get3A_220 : vector<1x16xf32> to vector<16xf32>
        %add3A_222 = arith.addf %get3A_215, %get3A_221 : vector<16xf32>
        %add3A_223 = arith.constant 1 : i32
        %add3A_224 = arith.addi %mul3A_131, %add3A_223 : i32
        %swap3A_225 = arith.index_cast %add3A_224 : i32 to index
        %swap3A_226 = arith.constant 0 : index
        %swap3A_227 = tpu.vector_load %arg11[%swap3A_225, %swap3A_226] {strides = array<i32>} : memref<200x64xf32, #tpu.memory_space<vmem>>, vector<1x16xf32>,
        %swap3A_228 = vector.shape_cast %swap3A_227 : vector<1x16xf32> to vector<16xf32>
        %swap3A_229 = vector.shape_cast %add3A_222 : vector<16xf32> to vector<1x16xf32>
        tpu.vector_store %arg11[%swap3A_225, %swap3A_226], %swap3A_229 {strides = array<i32>} : memref<200x64xf32, #tpu.memory_space<vmem>>, vector<1x16xf32>,
        %add3A_230 = arith.constant 1 : i32
        %add3A_231 = arith.addi %mul3A_131, %add3A_230 : i32
        %get3A_232 = arith.index_cast %add3A_231 : i32 to index
        %get3A_233 = arith.constant 16 : index
        %get3A_234 = tpu.vector_load %arg9[%get3A_232, %get3A_233] {strides = array<i32>} : memref<200x64xf32, #tpu.memory_space<vmem>>, vector<1x16xf32>,
        %get3A_235 = vector.shape_cast %get3A_234 : vector<1x16xf32> to vector<16xf32>
        %add3A_236 = arith.constant 1 : i32
        %add3A_237 = arith.addi %mul3A_131, %add3A_236 : i32
        %get3A_238 = arith.index_cast %add3A_237 : i32 to index
        %get3A_239 = arith.constant 16 : index
        %get3A_240 = tpu.vector_load %arg6[%get3A_238, %get3A_239] {strides = array<i32>} : memref<200x64xf32, #tpu.memory_space<vmem>>, vector<1x16xf32>,
        %get3A_241 = vector.shape_cast %get3A_240 : vector<1x16xf32> to vector<16xf32>
        %add3A_242 = arith.addf %get3A_235, %get3A_241 : vector<16xf32>
        %add3A_243 = arith.constant 1 : i32
        %add3A_244 = arith.addi %mul3A_131, %add3A_243 : i32
        %swap3A_245 = arith.index_cast %add3A_244 : i32 to index
        %swap3A_246 = arith.constant 16 : index
        %swap3A_247 = tpu.vector_load %arg11[%swap3A_245, %swap3A_246] {strides = array<i32>} : memref<200x64xf32, #tpu.memory_space<vmem>>, vector<1x16xf32>,
        %swap3A_248 = vector.shape_cast %swap3A_247 : vector<1x16xf32> to vector<16xf32>
        %swap3A_249 = vector.shape_cast %add3A_242 : vector<16xf32> to vector<1x16xf32>
        tpu.vector_store %arg11[%swap3A_245, %swap3A_246], %swap3A_249 {strides = array<i32>} : memref<200x64xf32, #tpu.memory_space<vmem>>, vector<1x16xf32>,
        %add3A_250 = arith.constant 1 : i32
        %add3A_251 = arith.addi %mul3A_131, %add3A_250 : i32
        %get3A_252 = arith.index_cast %add3A_251 : i32 to index
        %get3A_253 = arith.constant 32 : index
        %get3A_254 = tpu.vector_load %arg9[%get3A_252, %get3A_253] {strides = array<i32>} : memref<200x64xf32, #tpu.memory_space<vmem>>, vector<1x16xf32>,
        %get3A_255 = vector.shape_cast %get3A_254 : vector<1x16xf32> to vector<16xf32>
        %add3A_256 = arith.constant 1 : i32
        %add3A_257 = arith.addi %mul3A_131, %add3A_256 : i32
        %get3A_258 = arith.index_cast %add3A_257 : i32 to index
        %get3A_259 = arith.constant 32 : index
        %get3A_260 = tpu.vector_load %arg6[%get3A_258, %get3A_259] {strides = array<i32>} : memref<200x64xf32, #tpu.memory_space<vmem>>, vector<1x16xf32>,
        %get3A_261 = vector.shape_cast %get3A_260 : vector<1x16xf32> to vector<16xf32>
        %add3A_262 = arith.addf %get3A_255, %get3A_261 : vector<16xf32>
        %add3A_263 = arith.constant 1 : i32
        %add3A_264 = arith.addi %mul3A_131, %add3A_263 : i32
        %swap3A_265 = arith.index_cast %add3A_264 : i32 to index
        %swap3A_266 = arith.constant 32 : index
        %swap3A_267 = tpu.vector_load %arg11[%swap3A_265, %swap3A_266] {strides = array<i32>} : memref<200x64xf32, #tpu.memory_space<vmem>>, vector<1x16xf32>,
        %swap3A_268 = vector.shape_cast %swap3A_267 : vector<1x16xf32> to vector<16xf32>
        %swap3A_269 = vector.shape_cast %add3A_262 : vector<16xf32> to vector<1x16xf32>
        tpu.vector_store %arg11[%swap3A_265, %swap3A_266], %swap3A_269 {strides = array<i32>} : memref<200x64xf32, #tpu.memory_space<vmem>>, vector<1x16xf32>,
        %add3A_270 = arith.constant 1 : i32
        %add3A_271 = arith.addi %mul3A_131, %add3A_270 : i32
        %get3A_272 = arith.index_cast %add3A_271 : i32 to index
        %get3A_273 = arith.constant 48 : index
        %get3A_274 = tpu.vector_load %arg9[%get3A_272, %get3A_273] {strides = array<i32>} : memref<200x64xf32, #tpu.memory_space<vmem>>, vector<1x16xf32>,
        %get3A_275 = vector.shape_cast %get3A_274 : vector<1x16xf32> to vector<16xf32>
        %add3A_276 = arith.constant 1 : i32
        %add3A_277 = arith.addi %mul3A_131, %add3A_276 : i32
        %get3A_278 = arith.index_cast %add3A_277 : i32 to index
        %get3A_279 = arith.constant 48 : index
        %get3A_280 = tpu.vector_load %arg6[%get3A_278, %get3A_279] {strides = array<i32>} : memref<200x64xf32, #tpu.memory_space<vmem>>, vector<1x16xf32>,
        %get3A_281 = vector.shape_cast %get3A_280 : vector<1x16xf32> to vector<16xf32>
        %add3A_282 = arith.addf %get3A_275, %get3A_281 : vector<16xf32>
        %add3A_283 = arith.constant 1 : i32
        %add3A_284 = arith.addi %mul3A_131, %add3A_283 : i32
        %swap3A_285 = arith.index_cast %add3A_284 : i32 to index
        %swap3A_286 = arith.constant 48 : index
        %swap3A_287 = tpu.vector_load %arg11[%swap3A_285, %swap3A_286] {strides = array<i32>} : memref<200x64xf32, #tpu.memory_space<vmem>>, vector<1x16xf32>,
        %swap3A_288 = vector.shape_cast %swap3A_287 : vector<1x16xf32> to vector<16xf32>
        %swap3A_289 = vector.shape_cast %add3A_282 : vector<16xf32> to vector<1x16xf32>
        tpu.vector_store %arg11[%swap3A_285, %swap3A_286], %swap3A_289 {strides = array<i32>} : memref<200x64xf32, #tpu.memory_space<vmem>>, vector<1x16xf32>,
        %add3A_290 = arith.constant 2 : i32
        %add3A_291 = arith.addi %mul3A_131, %add3A_290 : i32
        %get3A_292 = arith.index_cast %add3A_291 : i32 to index
        %get3A_293 = arith.constant 0 : index
        %get3A_294 = tpu.vector_load %arg9[%get3A_292, %get3A_293] {strides = array<i32>} : memref<200x64xf32, #tpu.memory_space<vmem>>, vector<1x16xf32>,
        %get3A_295 = vector.shape_cast %get3A_294 : vector<1x16xf32> to vector<16xf32>
        %add3A_296 = arith.constant 2 : i32
        %add3A_297 = arith.addi %mul3A_131, %add3A_296 : i32
        %get3A_298 = arith.index_cast %add3A_297 : i32 to index
        %get3A_299 = arith.constant 0 : index
        %get3A_300 = tpu.vector_load %arg6[%get3A_298, %get3A_299] {strides = array<i32>} : memref<200x64xf32, #tpu.memory_space<vmem>>, vector<1x16xf32>,
        %get3A_301 = vector.shape_cast %get3A_300 : vector<1x16xf32> to vector<16xf32>
        %add3A_302 = arith.addf %get3A_295, %get3A_301 : vector<16xf32>
        %add3A_303 = arith.constant 2 : i32
        %add3A_304 = arith.addi %mul3A_131, %add3A_303 : i32
        %swap3A_305 = arith.index_cast %add3A_304 : i32 to index
        %swap3A_306 = arith.constant 0 : index
        %swap3A_307 = tpu.vector_load %arg11[%swap3A_305, %swap3A_306] {strides = array<i32>} : memref<200x64xf32, #tpu.memory_space<vmem>>, vector<1x16xf32>,
        %swap3A_308 = vector.shape_cast %swap3A_307 : vector<1x16xf32> to vector<16xf32>
        %swap3A_309 = vector.shape_cast %add3A_302 : vector<16xf32> to vector<1x16xf32>
        tpu.vector_store %arg11[%swap3A_305, %swap3A_306], %swap3A_309 {strides = array<i32>} : memref<200x64xf32, #tpu.memory_space<vmem>>, vector<1x16xf32>,
        %add3A_310 = arith.constant 2 : i32
        %add3A_311 = arith.addi %mul3A_131, %add3A_310 : i32
        %get3A_312 = arith.index_cast %add3A_311 : i32 to index
        %get3A_313 = arith.constant 16 : index
        %get3A_314 = tpu.vector_load %arg9[%get3A_312, %get3A_313] {strides = array<i32>} : memref<200x64xf32, #tpu.memory_space<vmem>>, vector<1x16xf32>,
        %get3A_315 = vector.shape_cast %get3A_314 : vector<1x16xf32> to vector<16xf32>
        %add3A_316 = arith.constant 2 : i32
        %add3A_317 = arith.addi %mul3A_131, %add3A_316 : i32
        %get3A_318 = arith.index_cast %add3A_317 : i32 to index
        %get3A_319 = arith.constant 16 : index
        %get3A_320 = tpu.vector_load %arg6[%get3A_318, %get3A_319] {strides = array<i32>} : memref<200x64xf32, #tpu.memory_space<vmem>>, vector<1x16xf32>,
        %get3A_321 = vector.shape_cast %get3A_320 : vector<1x16xf32> to vector<16xf32>
        %add3A_322 = arith.addf %get3A_315, %get3A_321 : vector<16xf32>
        %add3A_323 = arith.constant 2 : i32
        %add3A_324 = arith.addi %mul3A_131, %add3A_323 : i32
        %swap3A_325 = arith.index_cast %add3A_324 : i32 to index
        %swap3A_326 = arith.constant 16 : index
        %swap3A_327 = tpu.vector_load %arg11[%swap3A_325, %swap3A_326] {strides = array<i32>} : memref<200x64xf32, #tpu.memory_space<vmem>>, vector<1x16xf32>,
        %swap3A_328 = vector.shape_cast %swap3A_327 : vector<1x16xf32> to vector<16xf32>
        %swap3A_329 = vector.shape_cast %add3A_322 : vector<16xf32> to vector<1x16xf32>
        tpu.vector_store %arg11[%swap3A_325, %swap3A_326], %swap3A_329 {strides = array<i32>} : memref<200x64xf32, #tpu.memory_space<vmem>>, vector<1x16xf32>,
        %add3A_330 = arith.constant 2 : i32
        %add3A_331 = arith.addi %mul3A_131, %add3A_330 : i32
        %get3A_332 = arith.index_cast %add3A_331 : i32 to index
        %get3A_333 = arith.constant 32 : index
        %get3A_334 = tpu.vector_load %arg9[%get3A_332, %get3A_333] {strides = array<i32>} : memref<200x64xf32, #tpu.memory_space<vmem>>, vector<1x16xf32>,
        %get3A_335 = vector.shape_cast %get3A_334 : vector<1x16xf32> to vector<16xf32>
        %add3A_336 = arith.constant 2 : i32
        %add3A_337 = arith.addi %mul3A_131, %add3A_336 : i32
        %get3A_338 = arith.index_cast %add3A_337 : i32 to index
        %get3A_339 = arith.constant 32 : index
        %get3A_340 = tpu.vector_load %arg6[%get3A_338, %get3A_339] {strides = array<i32>} : memref<200x64xf32, #tpu.memory_space<vmem>>, vector<1x16xf32>,
        %get3A_341 = vector.shape_cast %get3A_340 : vector<1x16xf32> to vector<16xf32>
        %add3A_342 = arith.addf %get3A_335, %get3A_341 : vector<16xf32>
        %add3A_343 = arith.constant 2 : i32
        %add3A_344 = arith.addi %mul3A_131, %add3A_343 : i32
        %swap3A_345 = arith.index_cast %add3A_344 : i32 to index
        %swap3A_346 = arith.constant 32 : index
        %swap3A_347 = tpu.vector_load %arg11[%swap3A_345, %swap3A_346] {strides = array<i32>} : memref<200x64xf32, #tpu.memory_space<vmem>>, vector<1x16xf32>,
        %swap3A_348 = vector.shape_cast %swap3A_347 : vector<1x16xf32> to vector<16xf32>
        %swap3A_349 = vector.shape_cast %add3A_342 : vector<16xf32> to vector<1x16xf32>
        tpu.vector_store %arg11[%swap3A_345, %swap3A_346], %swap3A_349 {strides = array<i32>} : memref<200x64xf32, #tpu.memory_space<vmem>>, vector<1x16xf32>,
        %add3A_350 = arith.constant 2 : i32
        %add3A_351 = arith.addi %mul3A_131, %add3A_350 : i32
        %get3A_352 = arith.index_cast %add3A_351 : i32 to index
        %get3A_353 = arith.constant 48 : index
        %get3A_354 = tpu.vector_load %arg9[%get3A_352, %get3A_353] {strides = array<i32>} : memref<200x64xf32, #tpu.memory_space<vmem>>, vector<1x16xf32>,
        %get3A_355 = vector.shape_cast %get3A_354 : vector<1x16xf32> to vector<16xf32>
        %add3A_356 = arith.constant 2 : i32
        %add3A_357 = arith.addi %mul3A_131, %add3A_356 : i32
        %get3A_358 = arith.index_cast %add3A_357 : i32 to index
        %get3A_359 = arith.constant 48 : index
        %get3A_360 = tpu.vector_load %arg6[%get3A_358, %get3A_359] {strides = array<i32>} : memref<200x64xf32, #tpu.memory_space<vmem>>, vector<1x16xf32>,
        %get3A_361 = vector.shape_cast %get3A_360 : vector<1x16xf32> to vector<16xf32>
        %add3A_362 = arith.addf %get3A_355, %get3A_361 : vector<16xf32>
        %add3A_363 = arith.constant 2 : i32
        %add3A_364 = arith.addi %mul3A_131, %add3A_363 : i32
        %swap3A_365 = arith.index_cast %add3A_364 : i32 to index
        %swap3A_366 = arith.constant 48 : index
        %swap3A_367 = tpu.vector_load %arg11[%swap3A_365, %swap3A_366] {strides = array<i32>} : memref<200x64xf32, #tpu.memory_space<vmem>>, vector<1x16xf32>,
        %swap3A_368 = vector.shape_cast %swap3A_367 : vector<1x16xf32> to vector<16xf32>
        %swap3A_369 = vector.shape_cast %add3A_362 : vector<16xf32> to vector<1x16xf32>
        tpu.vector_store %arg11[%swap3A_365, %swap3A_366], %swap3A_369 {strides = array<i32>} : memref<200x64xf32, #tpu.memory_space<vmem>>, vector<1x16xf32>,
        %add3A_370 = arith.constant 3 : i32
        %add3A_371 = arith.addi %mul3A_131, %add3A_370 : i32
        %get3A_372 = arith.index_cast %add3A_371 : i32 to index
        %get3A_373 = arith.constant 0 : index
        %get3A_374 = tpu.vector_load %arg9[%get3A_372, %get3A_373] {strides = array<i32>} : memref<200x64xf32, #tpu.memory_space<vmem>>, vector<1x16xf32>,
        %get3A_375 = vector.shape_cast %get3A_374 : vector<1x16xf32> to vector<16xf32>
        %add3A_376 = arith.constant 3 : i32
        %add3A_377 = arith.addi %mul3A_131, %add3A_376 : i32
        %get3A_378 = arith.index_cast %add3A_377 : i32 to index
        %get3A_379 = arith.constant 0 : index
        %get3A_380 = tpu.vector_load %arg6[%get3A_378, %get3A_379] {strides = array<i32>} : memref<200x64xf32, #tpu.memory_space<vmem>>, vector<1x16xf32>,
        %get3A_381 = vector.shape_cast %get3A_380 : vector<1x16xf32> to vector<16xf32>
        %add3A_382 = arith.addf %get3A_375, %get3A_381 : vector<16xf32>
        %add3A_383 = arith.constant 3 : i32
        %add3A_384 = arith.addi %mul3A_131, %add3A_383 : i32
        %swap3A_385 = arith.index_cast %add3A_384 : i32 to index
        %swap3A_386 = arith.constant 0 : index
        %swap3A_387 = tpu.vector_load %arg11[%swap3A_385, %swap3A_386] {strides = array<i32>} : memref<200x64xf32, #tpu.memory_space<vmem>>, vector<1x16xf32>,
        %swap3A_388 = vector.shape_cast %swap3A_387 : vector<1x16xf32> to vector<16xf32>
        %swap3A_389 = vector.shape_cast %add3A_382 : vector<16xf32> to vector<1x16xf32>
        tpu.vector_store %arg11[%swap3A_385, %swap3A_386], %swap3A_389 {strides = array<i32>} : memref<200x64xf32, #tpu.memory_space<vmem>>, vector<1x16xf32>,
        %add3A_390 = arith.constant 3 : i32
        %add3A_391 = arith.addi %mul3A_131, %add3A_390 : i32
        %get3A_392 = arith.index_cast %add3A_391 : i32 to index
        %get3A_393 = arith.constant 16 : index
        %get3A_394 = tpu.vector_load %arg9[%get3A_392, %get3A_393] {strides = array<i32>} : memref<200x64xf32, #tpu.memory_space<vmem>>, vector<1x16xf32>,
        %get3A_395 = vector.shape_cast %get3A_394 : vector<1x16xf32> to vector<16xf32>
        %add3A_396 = arith.constant 3 : i32
        %add3A_397 = arith.addi %mul3A_131, %add3A_396 : i32
        %get3A_398 = arith.index_cast %add3A_397 : i32 to index
        %get3A_399 = arith.constant 16 : index
        %get3A_400 = tpu.vector_load %arg6[%get3A_398, %get3A_399] {strides = array<i32>} : memref<200x64xf32, #tpu.memory_space<vmem>>, vector<1x16xf32>,
        %get3A_401 = vector.shape_cast %get3A_400 : vector<1x16xf32> to vector<16xf32>
        %add3A_402 = arith.addf %get3A_395, %get3A_401 : vector<16xf32>
        %add3A_403 = arith.constant 3 : i32
        %add3A_404 = arith.addi %mul3A_131, %add3A_403 : i32
        %swap3A_405 = arith.index_cast %add3A_404 : i32 to index
        %swap3A_406 = arith.constant 16 : index
        %swap3A_407 = tpu.vector_load %arg11[%swap3A_405, %swap3A_406] {strides = array<i32>} : memref<200x64xf32, #tpu.memory_space<vmem>>, vector<1x16xf32>,
        %swap3A_408 = vector.shape_cast %swap3A_407 : vector<1x16xf32> to vector<16xf32>
        %swap3A_409 = vector.shape_cast %add3A_402 : vector<16xf32> to vector<1x16xf32>
        tpu.vector_store %arg11[%swap3A_405, %swap3A_406], %swap3A_409 {strides = array<i32>} : memref<200x64xf32, #tpu.memory_space<vmem>>, vector<1x16xf32>,
        %add3A_410 = arith.constant 3 : i32
        %add3A_411 = arith.addi %mul3A_131, %add3A_410 : i32
        %get3A_412 = arith.index_cast %add3A_411 : i32 to index
        %get3A_413 = arith.constant 32 : index
        %get3A_414 = tpu.vector_load %arg9[%get3A_412, %get3A_413] {strides = array<i32>} : memref<200x64xf32, #tpu.memory_space<vmem>>, vector<1x16xf32>,
        %get3A_415 = vector.shape_cast %get3A_414 : vector<1x16xf32> to vector<16xf32>
        %add3A_416 = arith.constant 3 : i32
        %add3A_417 = arith.addi %mul3A_131, %add3A_416 : i32
        %get3A_418 = arith.index_cast %add3A_417 : i32 to index
        %get3A_419 = arith.constant 32 : index
        %get3A_420 = tpu.vector_load %arg6[%get3A_418, %get3A_419] {strides = array<i32>} : memref<200x64xf32, #tpu.memory_space<vmem>>, vector<1x16xf32>,
        %get3A_421 = vector.shape_cast %get3A_420 : vector<1x16xf32> to vector<16xf32>
        %add3A_422 = arith.addf %get3A_415, %get3A_421 : vector<16xf32>
        %add3A_423 = arith.constant 3 : i32
        %add3A_424 = arith.addi %mul3A_131, %add3A_423 : i32
        %swap3A_425 = arith.index_cast %add3A_424 : i32 to index
        %swap3A_426 = arith.constant 32 : index
        %swap3A_427 = tpu.vector_load %arg11[%swap3A_425, %swap3A_426] {strides = array<i32>} : memref<200x64xf32, #tpu.memory_space<vmem>>, vector<1x16xf32>,
        %swap3A_428 = vector.shape_cast %swap3A_427 : vector<1x16xf32> to vector<16xf32>
        %swap3A_429 = vector.shape_cast %add3A_422 : vector<16xf32> to vector<1x16xf32>
        tpu.vector_store %arg11[%swap3A_425, %swap3A_426], %swap3A_429 {strides = array<i32>} : memref<200x64xf32, #tpu.memory_space<vmem>>, vector<1x16xf32>,
        %add3A_430 = arith.constant 3 : i32
        %add3A_431 = arith.addi %mul3A_131, %add3A_430 : i32
        %get3A_432 = arith.index_cast %add3A_431 : i32 to index
        %get3A_433 = arith.constant 48 : index
        %get3A_434 = tpu.vector_load %arg9[%get3A_432, %get3A_433] {strides = array<i32>} : memref<200x64xf32, #tpu.memory_space<vmem>>, vector<1x16xf32>,
        %get3A_435 = vector.shape_cast %get3A_434 : vector<1x16xf32> to vector<16xf32>
        %add3A_436 = arith.constant 3 : i32
        %add3A_437 = arith.addi %mul3A_131, %add3A_436 : i32
        %get3A_438 = arith.index_cast %add3A_437 : i32 to index
        %get3A_439 = arith.constant 48 : index
        %get3A_440 = tpu.vector_load %arg6[%get3A_438, %get3A_439] {strides = array<i32>} : memref<200x64xf32, #tpu.memory_space<vmem>>, vector<1x16xf32>,
        %get3A_441 = vector.shape_cast %get3A_440 : vector<1x16xf32> to vector<16xf32>
        %add3A_442 = arith.addf %get3A_435, %get3A_441 : vector<16xf32>
        %add3A_443 = arith.constant 3 : i32
        %add3A_444 = arith.addi %mul3A_131, %add3A_443 : i32
        %swap3A_445 = arith.index_cast %add3A_444 : i32 to index
        %swap3A_446 = arith.constant 48 : index
        %swap3A_447 = tpu.vector_load %arg11[%swap3A_445, %swap3A_446] {strides = array<i32>} : memref<200x64xf32, #tpu.memory_space<vmem>>, vector<1x16xf32>,
        %swap3A_448 = vector.shape_cast %swap3A_447 : vector<1x16xf32> to vector<16xf32>
        %swap3A_449 = vector.shape_cast %add3A_442 : vector<16xf32> to vector<1x16xf32>
        tpu.vector_store %arg11[%swap3A_445, %swap3A_446], %swap3A_449 {strides = array<i32>} : memref<200x64xf32, #tpu.memory_space<vmem>>, vector<1x16xf32>,
        %add3A_450 = arith.constant 4 : i32
        %add3A_451 = arith.addi %mul3A_131, %add3A_450 : i32
        %get3A_452 = arith.index_cast %add3A_451 : i32 to index
        %get3A_453 = arith.constant 0 : index
        %get3A_454 = tpu.vector_load %arg9[%get3A_452, %get3A_453] {strides = array<i32>} : memref<200x64xf32, #tpu.memory_space<vmem>>, vector<1x16xf32>,
        %get3A_455 = vector.shape_cast %get3A_454 : vector<1x16xf32> to vector<16xf32>
        %add3A_456 = arith.constant 4 : i32
        %add3A_457 = arith.addi %mul3A_131, %add3A_456 : i32
        %get3A_458 = arith.index_cast %add3A_457 : i32 to index
        %get3A_459 = arith.constant 0 : index
        %get3A_460 = tpu.vector_load %arg6[%get3A_458, %get3A_459] {strides = array<i32>} : memref<200x64xf32, #tpu.memory_space<vmem>>, vector<1x16xf32>,
        %get3A_461 = vector.shape_cast %get3A_460 : vector<1x16xf32> to vector<16xf32>
        %add3A_462 = arith.addf %get3A_455, %get3A_461 : vector<16xf32>
        %add3A_463 = arith.constant 4 : i32
        %add3A_464 = arith.addi %mul3A_131, %add3A_463 : i32
        %swap3A_465 = arith.index_cast %add3A_464 : i32 to index
        %swap3A_466 = arith.constant 0 : index
        %swap3A_467 = tpu.vector_load %arg11[%swap3A_465, %swap3A_466] {strides = array<i32>} : memref<200x64xf32, #tpu.memory_space<vmem>>, vector<1x16xf32>,
        %swap3A_468 = vector.shape_cast %swap3A_467 : vector<1x16xf32> to vector<16xf32>
        %swap3A_469 = vector.shape_cast %add3A_462 : vector<16xf32> to vector<1x16xf32>
        tpu.vector_store %arg11[%swap3A_465, %swap3A_466], %swap3A_469 {strides = array<i32>} : memref<200x64xf32, #tpu.memory_space<vmem>>, vector<1x16xf32>,
        %add3A_470 = arith.constant 4 : i32
        %add3A_471 = arith.addi %mul3A_131, %add3A_470 : i32
        %get3A_472 = arith.index_cast %add3A_471 : i32 to index
        %get3A_473 = arith.constant 16 : index
        %get3A_474 = tpu.vector_load %arg9[%get3A_472, %get3A_473] {strides = array<i32>} : memref<200x64xf32, #tpu.memory_space<vmem>>, vector<1x16xf32>,
        %get3A_475 = vector.shape_cast %get3A_474 : vector<1x16xf32> to vector<16xf32>
        %add3A_476 = arith.constant 4 : i32
        %add3A_477 = arith.addi %mul3A_131, %add3A_476 : i32
        %get3A_478 = arith.index_cast %add3A_477 : i32 to index
        %get3A_479 = arith.constant 16 : index
        %get3A_480 = tpu.vector_load %arg6[%get3A_478, %get3A_479] {strides = array<i32>} : memref<200x64xf32, #tpu.memory_space<vmem>>, vector<1x16xf32>,
        %get3A_481 = vector.shape_cast %get3A_480 : vector<1x16xf32> to vector<16xf32>
        %add3A_482 = arith.addf %get3A_475, %get3A_481 : vector<16xf32>
        %add3A_483 = arith.constant 4 : i32
        %add3A_484 = arith.addi %mul3A_131, %add3A_483 : i32
        %swap3A_485 = arith.index_cast %add3A_484 : i32 to index
        %swap3A_486 = arith.constant 16 : index
        %swap3A_487 = tpu.vector_load %arg11[%swap3A_485, %swap3A_486] {strides = array<i32>} : memref<200x64xf32, #tpu.memory_space<vmem>>, vector<1x16xf32>,
        %swap3A_488 = vector.shape_cast %swap3A_487 : vector<1x16xf32> to vector<16xf32>
        %swap3A_489 = vector.shape_cast %add3A_482 : vector<16xf32> to vector<1x16xf32>
        tpu.vector_store %arg11[%swap3A_485, %swap3A_486], %swap3A_489 {strides = array<i32>} : memref<200x64xf32, #tpu.memory_space<vmem>>, vector<1x16xf32>,
        %add3A_490 = arith.constant 4 : i32
        %add3A_491 = arith.addi %mul3A_131, %add3A_490 : i32
        %get3A_492 = arith.index_cast %add3A_491 : i32 to index
        %get3A_493 = arith.constant 32 : index
        %get3A_494 = tpu.vector_load %arg9[%get3A_492, %get3A_493] {strides = array<i32>} : memref<200x64xf32, #tpu.memory_space<vmem>>, vector<1x16xf32>,
        %get3A_495 = vector.shape_cast %get3A_494 : vector<1x16xf32> to vector<16xf32>
        %add3A_496 = arith.constant 4 : i32
        %add3A_497 = arith.addi %mul3A_131, %add3A_496 : i32
        %get3A_498 = arith.index_cast %add3A_497 : i32 to index
        %get3A_499 = arith.constant 32 : index
        %get3A_500 = tpu.vector_load %arg6[%get3A_498, %get3A_499] {strides = array<i32>} : memref<200x64xf32, #tpu.memory_space<vmem>>, vector<1x16xf32>,
        %get3A_501 = vector.shape_cast %get3A_500 : vector<1x16xf32> to vector<16xf32>
        %add3A_502 = arith.addf %get3A_495, %get3A_501 : vector<16xf32>
        %add3A_503 = arith.constant 4 : i32
        %add3A_504 = arith.addi %mul3A_131, %add3A_503 : i32
        %swap3A_505 = arith.index_cast %add3A_504 : i32 to index
        %swap3A_506 = arith.constant 32 : index
        %swap3A_507 = tpu.vector_load %arg11[%swap3A_505, %swap3A_506] {strides = array<i32>} : memref<200x64xf32, #tpu.memory_space<vmem>>, vector<1x16xf32>,
        %swap3A_508 = vector.shape_cast %swap3A_507 : vector<1x16xf32> to vector<16xf32>
        %swap3A_509 = vector.shape_cast %add3A_502 : vector<16xf32> to vector<1x16xf32>
        tpu.vector_store %arg11[%swap3A_505, %swap3A_506], %swap3A_509 {strides = array<i32>} : memref<200x64xf32, #tpu.memory_space<vmem>>, vector<1x16xf32>,
        %add3A_510 = arith.constant 4 : i32
        %add3A_511 = arith.addi %mul3A_131, %add3A_510 : i32
        %get3A_512 = arith.index_cast %add3A_511 : i32 to index
        %get3A_513 = arith.constant 48 : index
        %get3A_514 = tpu.vector_load %arg9[%get3A_512, %get3A_513] {strides = array<i32>} : memref<200x64xf32, #tpu.memory_space<vmem>>, vector<1x16xf32>,
        %get3A_515 = vector.shape_cast %get3A_514 : vector<1x16xf32> to vector<16xf32>
        %add3A_516 = arith.constant 4 : i32
        %add3A_517 = arith.addi %mul3A_131, %add3A_516 : i32
        %get3A_518 = arith.index_cast %add3A_517 : i32 to index
        %get3A_519 = arith.constant 48 : index
        %get3A_520 = tpu.vector_load %arg6[%get3A_518, %get3A_519] {strides = array<i32>} : memref<200x64xf32, #tpu.memory_space<vmem>>, vector<1x16xf32>,
        %get3A_521 = vector.shape_cast %get3A_520 : vector<1x16xf32> to vector<16xf32>
        %add3A_522 = arith.addf %get3A_515, %get3A_521 : vector<16xf32>
        %add3A_523 = arith.constant 4 : i32
        %add3A_524 = arith.addi %mul3A_131, %add3A_523 : i32
        %swap3A_525 = arith.index_cast %add3A_524 : i32 to index
        %swap3A_526 = arith.constant 48 : index
        %swap3A_527 = tpu.vector_load %arg11[%swap3A_525, %swap3A_526] {strides = array<i32>} : memref<200x64xf32, #tpu.memory_space<vmem>>, vector<1x16xf32>,
        %swap3A_528 = vector.shape_cast %swap3A_527 : vector<1x16xf32> to vector<16xf32>
        %swap3A_529 = vector.shape_cast %add3A_522 : vector<16xf32> to vector<1x16xf32>
        tpu.vector_store %arg11[%swap3A_525, %swap3A_526], %swap3A_529 {strides = array<i32>} : memref<200x64xf32, #tpu.memory_space<vmem>>, vector<1x16xf32>,
        %add3A_530 = arith.constant 5 : i32
        %add3A_531 = arith.addi %mul3A_131, %add3A_530 : i32
        %get3A_532 = arith.index_cast %add3A_531 : i32 to index
        %get3A_533 = arith.constant 0 : index
        %get3A_534 = tpu.vector_load %arg9[%get3A_532, %get3A_533] {strides = array<i32>} : memref<200x64xf32, #tpu.memory_space<vmem>>, vector<1x16xf32>,
        %get3A_535 = vector.shape_cast %get3A_534 : vector<1x16xf32> to vector<16xf32>
        %add3A_536 = arith.constant 5 : i32
        %add3A_537 = arith.addi %mul3A_131, %add3A_536 : i32
        %get3A_538 = arith.index_cast %add3A_537 : i32 to index
        %get3A_539 = arith.constant 0 : index
        %get3A_540 = tpu.vector_load %arg6[%get3A_538, %get3A_539] {strides = array<i32>} : memref<200x64xf32, #tpu.memory_space<vmem>>, vector<1x16xf32>,
        %get3A_541 = vector.shape_cast %get3A_540 : vector<1x16xf32> to vector<16xf32>
        %add3A_542 = arith.addf %get3A_535, %get3A_541 : vector<16xf32>
        %add3A_543 = arith.constant 5 : i32
        %add3A_544 = arith.addi %mul3A_131, %add3A_543 : i32
        %swap3A_545 = arith.index_cast %add3A_544 : i32 to index
        %swap3A_546 = arith.constant 0 : index
        %swap3A_547 = tpu.vector_load %arg11[%swap3A_545, %swap3A_546] {strides = array<i32>} : memref<200x64xf32, #tpu.memory_space<vmem>>, vector<1x16xf32>,
        %swap3A_548 = vector.shape_cast %swap3A_547 : vector<1x16xf32> to vector<16xf32>
        %swap3A_549 = vector.shape_cast %add3A_542 : vector<16xf32> to vector<1x16xf32>
        tpu.vector_store %arg11[%swap3A_545, %swap3A_546], %swap3A_549 {strides = array<i32>} : memref<200x64xf32, #tpu.memory_space<vmem>>, vector<1x16xf32>,
        %add3A_550 = arith.constant 5 : i32
        %add3A_551 = arith.addi %mul3A_131, %add3A_550 : i32
        %get3A_552 = arith.index_cast %add3A_551 : i32 to index
        %get3A_553 = arith.constant 16 : index
        %get3A_554 = tpu.vector_load %arg9[%get3A_552, %get3A_553] {strides = array<i32>} : memref<200x64xf32, #tpu.memory_space<vmem>>, vector<1x16xf32>,
        %get3A_555 = vector.shape_cast %get3A_554 : vector<1x16xf32> to vector<16xf32>
        %add3A_556 = arith.constant 5 : i32
        %add3A_557 = arith.addi %mul3A_131, %add3A_556 : i32
        %get3A_558 = arith.index_cast %add3A_557 : i32 to index
        %get3A_559 = arith.constant 16 : index
        %get3A_560 = tpu.vector_load %arg6[%get3A_558, %get3A_559] {strides = array<i32>} : memref<200x64xf32, #tpu.memory_space<vmem>>, vector<1x16xf32>,
        %get3A_561 = vector.shape_cast %get3A_560 : vector<1x16xf32> to vector<16xf32>
        %add3A_562 = arith.addf %get3A_555, %get3A_561 : vector<16xf32>
        %add3A_563 = arith.constant 5 : i32
        %add3A_564 = arith.addi %mul3A_131, %add3A_563 : i32
        %swap3A_565 = arith.index_cast %add3A_564 : i32 to index
        %swap3A_566 = arith.constant 16 : index
        %swap3A_567 = tpu.vector_load %arg11[%swap3A_565, %swap3A_566] {strides = array<i32>} : memref<200x64xf32, #tpu.memory_space<vmem>>, vector<1x16xf32>,
        %swap3A_568 = vector.shape_cast %swap3A_567 : vector<1x16xf32> to vector<16xf32>
        %swap3A_569 = vector.shape_cast %add3A_562 : vector<16xf32> to vector<1x16xf32>
        tpu.vector_store %arg11[%swap3A_565, %swap3A_566], %swap3A_569 {strides = array<i32>} : memref<200x64xf32, #tpu.memory_space<vmem>>, vector<1x16xf32>,
        %add3A_570 = arith.constant 5 : i32
        %add3A_571 = arith.addi %mul3A_131, %add3A_570 : i32
        %get3A_572 = arith.index_cast %add3A_571 : i32 to index
        %get3A_573 = arith.constant 32 : index
        %get3A_574 = tpu.vector_load %arg9[%get3A_572, %get3A_573] {strides = array<i32>} : memref<200x64xf32, #tpu.memory_space<vmem>>, vector<1x16xf32>,
        %get3A_575 = vector.shape_cast %get3A_574 : vector<1x16xf32> to vector<16xf32>
        %add3A_576 = arith.constant 5 : i32
        %add3A_577 = arith.addi %mul3A_131, %add3A_576 : i32
        %get3A_578 = arith.index_cast %add3A_577 : i32 to index
        %get3A_579 = arith.constant 32 : index
        %get3A_580 = tpu.vector_load %arg6[%get3A_578, %get3A_579] {strides = array<i32>} : memref<200x64xf32, #tpu.memory_space<vmem>>, vector<1x16xf32>,
        %get3A_581 = vector.shape_cast %get3A_580 : vector<1x16xf32> to vector<16xf32>
        %add3A_582 = arith.addf %get3A_575, %get3A_581 : vector<16xf32>
        %add3A_583 = arith.constant 5 : i32
        %add3A_584 = arith.addi %mul3A_131, %add3A_583 : i32
        %swap3A_585 = arith.index_cast %add3A_584 : i32 to index
        %swap3A_586 = arith.constant 32 : index
        %swap3A_587 = tpu.vector_load %arg11[%swap3A_585, %swap3A_586] {strides = array<i32>} : memref<200x64xf32, #tpu.memory_space<vmem>>, vector<1x16xf32>,
        %swap3A_588 = vector.shape_cast %swap3A_587 : vector<1x16xf32> to vector<16xf32>
        %swap3A_589 = vector.shape_cast %add3A_582 : vector<16xf32> to vector<1x16xf32>
        tpu.vector_store %arg11[%swap3A_585, %swap3A_586], %swap3A_589 {strides = array<i32>} : memref<200x64xf32, #tpu.memory_space<vmem>>, vector<1x16xf32>,
        %add3A_590 = arith.constant 5 : i32
        %add3A_591 = arith.addi %mul3A_131, %add3A_590 : i32
        %get3A_592 = arith.index_cast %add3A_591 : i32 to index
        %get3A_593 = arith.constant 48 : index
        %get3A_594 = tpu.vector_load %arg9[%get3A_592, %get3A_593] {strides = array<i32>} : memref<200x64xf32, #tpu.memory_space<vmem>>, vector<1x16xf32>,
        %get3A_595 = vector.shape_cast %get3A_594 : vector<1x16xf32> to vector<16xf32>
        %add3A_596 = arith.constant 5 : i32
        %add3A_597 = arith.addi %mul3A_131, %add3A_596 : i32
        %get3A_598 = arith.index_cast %add3A_597 : i32 to index
        %get3A_599 = arith.constant 48 : index
        %get3A_600 = tpu.vector_load %arg6[%get3A_598, %get3A_599] {strides = array<i32>} : memref<200x64xf32, #tpu.memory_space<vmem>>, vector<1x16xf32>,
        %get3A_601 = vector.shape_cast %get3A_600 : vector<1x16xf32> to vector<16xf32>
        %add3A_602 = arith.addf %get3A_595, %get3A_601 : vector<16xf32>
        %add3A_603 = arith.constant 5 : i32
        %add3A_604 = arith.addi %mul3A_131, %add3A_603 : i32
        %swap3A_605 = arith.index_cast %add3A_604 : i32 to index
        %swap3A_606 = arith.constant 48 : index
        %swap3A_607 = tpu.vector_load %arg11[%swap3A_605, %swap3A_606] {strides = array<i32>} : memref<200x64xf32, #tpu.memory_space<vmem>>, vector<1x16xf32>,
        %swap3A_608 = vector.shape_cast %swap3A_607 : vector<1x16xf32> to vector<16xf32>
        %swap3A_609 = vector.shape_cast %add3A_602 : vector<16xf32> to vector<1x16xf32>
        tpu.vector_store %arg11[%swap3A_605, %swap3A_606], %swap3A_609 {strides = array<i32>} : memref<200x64xf32, #tpu.memory_space<vmem>>, vector<1x16xf32>,
        %add3A_610 = arith.constant 6 : i32
        %add3A_611 = arith.addi %mul3A_131, %add3A_610 : i32
        %get3A_612 = arith.index_cast %add3A_611 : i32 to index
        %get3A_613 = arith.constant 0 : index
        %get3A_614 = tpu.vector_load %arg9[%get3A_612, %get3A_613] {strides = array<i32>} : memref<200x64xf32, #tpu.memory_space<vmem>>, vector<1x16xf32>,
        %get3A_615 = vector.shape_cast %get3A_614 : vector<1x16xf32> to vector<16xf32>
        %add3A_616 = arith.constant 6 : i32
        %add3A_617 = arith.addi %mul3A_131, %add3A_616 : i32
        %get3A_618 = arith.index_cast %add3A_617 : i32 to index
        %get3A_619 = arith.constant 0 : index
        %get3A_620 = tpu.vector_load %arg6[%get3A_618, %get3A_619] {strides = array<i32>} : memref<200x64xf32, #tpu.memory_space<vmem>>, vector<1x16xf32>,
        %get3A_621 = vector.shape_cast %get3A_620 : vector<1x16xf32> to vector<16xf32>
        %add3A_622 = arith.addf %get3A_615, %get3A_621 : vector<16xf32>
        %add3A_623 = arith.constant 6 : i32
        %add3A_624 = arith.addi %mul3A_131, %add3A_623 : i32
        %swap3A_625 = arith.index_cast %add3A_624 : i32 to index
        %swap3A_626 = arith.constant 0 : index
        %swap3A_627 = tpu.vector_load %arg11[%swap3A_625, %swap3A_626] {strides = array<i32>} : memref<200x64xf32, #tpu.memory_space<vmem>>, vector<1x16xf32>,
        %swap3A_628 = vector.shape_cast %swap3A_627 : vector<1x16xf32> to vector<16xf32>
        %swap3A_629 = vector.shape_cast %add3A_622 : vector<16xf32> to vector<1x16xf32>
        tpu.vector_store %arg11[%swap3A_625, %swap3A_626], %swap3A_629 {strides = array<i32>} : memref<200x64xf32, #tpu.memory_space<vmem>>, vector<1x16xf32>,
        %add3A_630 = arith.constant 6 : i32
        %add3A_631 = arith.addi %mul3A_131, %add3A_630 : i32
        %get3A_632 = arith.index_cast %add3A_631 : i32 to index
        %get3A_633 = arith.constant 16 : index
        %get3A_634 = tpu.vector_load %arg9[%get3A_632, %get3A_633] {strides = array<i32>} : memref<200x64xf32, #tpu.memory_space<vmem>>, vector<1x16xf32>,
        %get3A_635 = vector.shape_cast %get3A_634 : vector<1x16xf32> to vector<16xf32>
        %add3A_636 = arith.constant 6 : i32
        %add3A_637 = arith.addi %mul3A_131, %add3A_636 : i32
        %get3A_638 = arith.index_cast %add3A_637 : i32 to index
        %get3A_639 = arith.constant 16 : index
        %get3A_640 = tpu.vector_load %arg6[%get3A_638, %get3A_639] {strides = array<i32>} : memref<200x64xf32, #tpu.memory_space<vmem>>, vector<1x16xf32>,
        %get3A_641 = vector.shape_cast %get3A_640 : vector<1x16xf32> to vector<16xf32>
        %add3A_642 = arith.addf %get3A_635, %get3A_641 : vector<16xf32>
        %add3A_643 = arith.constant 6 : i32
        %add3A_644 = arith.addi %mul3A_131, %add3A_643 : i32
        %swap3A_645 = arith.index_cast %add3A_644 : i32 to index
        %swap3A_646 = arith.constant 16 : index
        %swap3A_647 = tpu.vector_load %arg11[%swap3A_645, %swap3A_646] {strides = array<i32>} : memref<200x64xf32, #tpu.memory_space<vmem>>, vector<1x16xf32>,
        %swap3A_648 = vector.shape_cast %swap3A_647 : vector<1x16xf32> to vector<16xf32>
        %swap3A_649 = vector.shape_cast %add3A_642 : vector<16xf32> to vector<1x16xf32>
        tpu.vector_store %arg11[%swap3A_645, %swap3A_646], %swap3A_649 {strides = array<i32>} : memref<200x64xf32, #tpu.memory_space<vmem>>, vector<1x16xf32>,
        %add3A_650 = arith.constant 6 : i32
        %add3A_651 = arith.addi %mul3A_131, %add3A_650 : i32
        %get3A_652 = arith.index_cast %add3A_651 : i32 to index
        %get3A_653 = arith.constant 32 : index
        %get3A_654 = tpu.vector_load %arg9[%get3A_652, %get3A_653] {strides = array<i32>} : memref<200x64xf32, #tpu.memory_space<vmem>>, vector<1x16xf32>,
        %get3A_655 = vector.shape_cast %get3A_654 : vector<1x16xf32> to vector<16xf32>
        %add3A_656 = arith.constant 6 : i32
        %add3A_657 = arith.addi %mul3A_131, %add3A_656 : i32
        %get3A_658 = arith.index_cast %add3A_657 : i32 to index
        %get3A_659 = arith.constant 32 : index
        %get3A_660 = tpu.vector_load %arg6[%get3A_658, %get3A_659] {strides = array<i32>} : memref<200x64xf32, #tpu.memory_space<vmem>>, vector<1x16xf32>,
        %get3A_661 = vector.shape_cast %get3A_660 : vector<1x16xf32> to vector<16xf32>
        %add3A_662 = arith.addf %get3A_655, %get3A_661 : vector<16xf32>
        %add3A_663 = arith.constant 6 : i32
        %add3A_664 = arith.addi %mul3A_131, %add3A_663 : i32
        %swap3A_665 = arith.index_cast %add3A_664 : i32 to index
        %swap3A_666 = arith.constant 32 : index
        %swap3A_667 = tpu.vector_load %arg11[%swap3A_665, %swap3A_666] {strides = array<i32>} : memref<200x64xf32, #tpu.memory_space<vmem>>, vector<1x16xf32>,
        %swap3A_668 = vector.shape_cast %swap3A_667 : vector<1x16xf32> to vector<16xf32>
        %swap3A_669 = vector.shape_cast %add3A_662 : vector<16xf32> to vector<1x16xf32>
        tpu.vector_store %arg11[%swap3A_665, %swap3A_666], %swap3A_669 {strides = array<i32>} : memref<200x64xf32, #tpu.memory_space<vmem>>, vector<1x16xf32>,
        %add3A_670 = arith.constant 6 : i32
        %add3A_671 = arith.addi %mul3A_131, %add3A_670 : i32
        %get3A_672 = arith.index_cast %add3A_671 : i32 to index
        %get3A_673 = arith.constant 48 : index
        %get3A_674 = tpu.vector_load %arg9[%get3A_672, %get3A_673] {strides = array<i32>} : memref<200x64xf32, #tpu.memory_space<vmem>>, vector<1x16xf32>,
        %get3A_675 = vector.shape_cast %get3A_674 : vector<1x16xf32> to vector<16xf32>
        %add3A_676 = arith.constant 6 : i32
        %add3A_677 = arith.addi %mul3A_131, %add3A_676 : i32
        %get3A_678 = arith.index_cast %add3A_677 : i32 to index
        %get3A_679 = arith.constant 48 : index
        %get3A_680 = tpu.vector_load %arg6[%get3A_678, %get3A_679] {strides = array<i32>} : memref<200x64xf32, #tpu.memory_space<vmem>>, vector<1x16xf32>,
        %get3A_681 = vector.shape_cast %get3A_680 : vector<1x16xf32> to vector<16xf32>
        %add3A_682 = arith.addf %get3A_675, %get3A_681 : vector<16xf32>
        %add3A_683 = arith.constant 6 : i32
        %add3A_684 = arith.addi %mul3A_131, %add3A_683 : i32
        %swap3A_685 = arith.index_cast %add3A_684 : i32 to index
        %swap3A_686 = arith.constant 48 : index
        %swap3A_687 = tpu.vector_load %arg11[%swap3A_685, %swap3A_686] {strides = array<i32>} : memref<200x64xf32, #tpu.memory_space<vmem>>, vector<1x16xf32>,
        %swap3A_688 = vector.shape_cast %swap3A_687 : vector<1x16xf32> to vector<16xf32>
        %swap3A_689 = vector.shape_cast %add3A_682 : vector<16xf32> to vector<1x16xf32>
        tpu.vector_store %arg11[%swap3A_685, %swap3A_686], %swap3A_689 {strides = array<i32>} : memref<200x64xf32, #tpu.memory_space<vmem>>, vector<1x16xf32>,
        %add3A_690 = arith.constant 7 : i32
        %add3A_691 = arith.addi %mul3A_131, %add3A_690 : i32
        %get3A_692 = arith.index_cast %add3A_691 : i32 to index
        %get3A_693 = arith.constant 0 : index
        %get3A_694 = tpu.vector_load %arg9[%get3A_692, %get3A_693] {strides = array<i32>} : memref<200x64xf32, #tpu.memory_space<vmem>>, vector<1x16xf32>,
        %get3A_695 = vector.shape_cast %get3A_694 : vector<1x16xf32> to vector<16xf32>
        %add3A_696 = arith.constant 7 : i32
        %add3A_697 = arith.addi %mul3A_131, %add3A_696 : i32
        %get3A_698 = arith.index_cast %add3A_697 : i32 to index
        %get3A_699 = arith.constant 0 : index
        %get3A_700 = tpu.vector_load %arg6[%get3A_698, %get3A_699] {strides = array<i32>} : memref<200x64xf32, #tpu.memory_space<vmem>>, vector<1x16xf32>,
        %get3A_701 = vector.shape_cast %get3A_700 : vector<1x16xf32> to vector<16xf32>
        %add3A_702 = arith.addf %get3A_695, %get3A_701 : vector<16xf32>
        %add3A_703 = arith.constant 7 : i32
        %add3A_704 = arith.addi %mul3A_131, %add3A_703 : i32
        %swap3A_705 = arith.index_cast %add3A_704 : i32 to index
        %swap3A_706 = arith.constant 0 : index
        %swap3A_707 = tpu.vector_load %arg11[%swap3A_705, %swap3A_706] {strides = array<i32>} : memref<200x64xf32, #tpu.memory_space<vmem>>, vector<1x16xf32>,
        %swap3A_708 = vector.shape_cast %swap3A_707 : vector<1x16xf32> to vector<16xf32>
        %swap3A_709 = vector.shape_cast %add3A_702 : vector<16xf32> to vector<1x16xf32>
        tpu.vector_store %arg11[%swap3A_705, %swap3A_706], %swap3A_709 {strides = array<i32>} : memref<200x64xf32, #tpu.memory_space<vmem>>, vector<1x16xf32>,
        %add3A_710 = arith.constant 7 : i32
        %add3A_711 = arith.addi %mul3A_131, %add3A_710 : i32
        %get3A_712 = arith.index_cast %add3A_711 : i32 to index
        %get3A_713 = arith.constant 16 : index
        %get3A_714 = tpu.vector_load %arg9[%get3A_712, %get3A_713] {strides = array<i32>} : memref<200x64xf32, #tpu.memory_space<vmem>>, vector<1x16xf32>,
        %get3A_715 = vector.shape_cast %get3A_714 : vector<1x16xf32> to vector<16xf32>
        %add3A_716 = arith.constant 7 : i32
        %add3A_717 = arith.addi %mul3A_131, %add3A_716 : i32
        %get3A_718 = arith.index_cast %add3A_717 : i32 to index
        %get3A_719 = arith.constant 16 : index
        %get3A_720 = tpu.vector_load %arg6[%get3A_718, %get3A_719] {strides = array<i32>} : memref<200x64xf32, #tpu.memory_space<vmem>>, vector<1x16xf32>,
        %get3A_721 = vector.shape_cast %get3A_720 : vector<1x16xf32> to vector<16xf32>
        %add3A_722 = arith.addf %get3A_715, %get3A_721 : vector<16xf32>
        %add3A_723 = arith.constant 7 : i32
        %add3A_724 = arith.addi %mul3A_131, %add3A_723 : i32
        %swap3A_725 = arith.index_cast %add3A_724 : i32 to index
        %swap3A_726 = arith.constant 16 : index
        %swap3A_727 = tpu.vector_load %arg11[%swap3A_725, %swap3A_726] {strides = array<i32>} : memref<200x64xf32, #tpu.memory_space<vmem>>, vector<1x16xf32>,
        %swap3A_728 = vector.shape_cast %swap3A_727 : vector<1x16xf32> to vector<16xf32>
        %swap3A_729 = vector.shape_cast %add3A_722 : vector<16xf32> to vector<1x16xf32>
        tpu.vector_store %arg11[%swap3A_725, %swap3A_726], %swap3A_729 {strides = array<i32>} : memref<200x64xf32, #tpu.memory_space<vmem>>, vector<1x16xf32>,
        %add3A_730 = arith.constant 7 : i32
        %add3A_731 = arith.addi %mul3A_131, %add3A_730 : i32
        %get3A_732 = arith.index_cast %add3A_731 : i32 to index
        %get3A_733 = arith.constant 32 : index
        %get3A_734 = tpu.vector_load %arg9[%get3A_732, %get3A_733] {strides = array<i32>} : memref<200x64xf32, #tpu.memory_space<vmem>>, vector<1x16xf32>,
        %get3A_735 = vector.shape_cast %get3A_734 : vector<1x16xf32> to vector<16xf32>
        %add3A_736 = arith.constant 7 : i32
        %add3A_737 = arith.addi %mul3A_131, %add3A_736 : i32
        %get3A_738 = arith.index_cast %add3A_737 : i32 to index
        %get3A_739 = arith.constant 32 : index
        %get3A_740 = tpu.vector_load %arg6[%get3A_738, %get3A_739] {strides = array<i32>} : memref<200x64xf32, #tpu.memory_space<vmem>>, vector<1x16xf32>,
        %get3A_741 = vector.shape_cast %get3A_740 : vector<1x16xf32> to vector<16xf32>
        %add3A_742 = arith.addf %get3A_735, %get3A_741 : vector<16xf32>
        %add3A_743 = arith.constant 7 : i32
        %add3A_744 = arith.addi %mul3A_131, %add3A_743 : i32
        %swap3A_745 = arith.index_cast %add3A_744 : i32 to index
        %swap3A_746 = arith.constant 32 : index
        %swap3A_747 = tpu.vector_load %arg11[%swap3A_745, %swap3A_746] {strides = array<i32>} : memref<200x64xf32, #tpu.memory_space<vmem>>, vector<1x16xf32>,
        %swap3A_748 = vector.shape_cast %swap3A_747 : vector<1x16xf32> to vector<16xf32>
        %swap3A_749 = vector.shape_cast %add3A_742 : vector<16xf32> to vector<1x16xf32>
        tpu.vector_store %arg11[%swap3A_745, %swap3A_746], %swap3A_749 {strides = array<i32>} : memref<200x64xf32, #tpu.memory_space<vmem>>, vector<1x16xf32>,
        %add3A_750 = arith.constant 7 : i32
        %add3A_751 = arith.addi %mul3A_131, %add3A_750 : i32
        %get3A_752 = arith.index_cast %add3A_751 : i32 to index
        %get3A_753 = arith.constant 48 : index
        %get3A_754 = tpu.vector_load %arg9[%get3A_752, %get3A_753] {strides = array<i32>} : memref<200x64xf32, #tpu.memory_space<vmem>>, vector<1x16xf32>,
        %get3A_755 = vector.shape_cast %get3A_754 : vector<1x16xf32> to vector<16xf32>
        %add3A_756 = arith.constant 7 : i32
        %add3A_757 = arith.addi %mul3A_131, %add3A_756 : i32
        %get3A_758 = arith.index_cast %add3A_757 : i32 to index
        %get3A_759 = arith.constant 48 : index
        %get3A_760 = tpu.vector_load %arg6[%get3A_758, %get3A_759] {strides = array<i32>} : memref<200x64xf32, #tpu.memory_space<vmem>>, vector<1x16xf32>,
        %get3A_761 = vector.shape_cast %get3A_760 : vector<1x16xf32> to vector<16xf32>
        %add3A_762 = arith.addf %get3A_755, %get3A_761 : vector<16xf32>
        %add3A_763 = arith.constant 7 : i32
        %add3A_764 = arith.addi %mul3A_131, %add3A_763 : i32
        %swap3A_765 = arith.index_cast %add3A_764 : i32 to index
        %swap3A_766 = arith.constant 48 : index
        %swap3A_767 = tpu.vector_load %arg11[%swap3A_765, %swap3A_766] {strides = array<i32>} : memref<200x64xf32, #tpu.memory_space<vmem>>, vector<1x16xf32>,
        %swap3A_768 = vector.shape_cast %swap3A_767 : vector<1x16xf32> to vector<16xf32>
        %swap3A_769 = vector.shape_cast %add3A_762 : vector<16xf32> to vector<1x16xf32>
        tpu.vector_store %arg11[%swap3A_765, %swap3A_766], %swap3A_769 {strides = array<i32>} : memref<200x64xf32, #tpu.memory_space<vmem>>, vector<1x16xf32>,
      }
      %scan3A_121 = arith.constant 25 : i32
      %add3A_122 = arith.addi %mul3A_2, %add3A_85 : i32
      %mul3A_123 = arith.constant 200 : i32
      %mul3A_124 = arith.muli %add3A_122, %mul3A_123 : i32
      %dma_start3A_125 = arith.constant 0 : i32
      %dma_start3A_126 = tpu.memref_slice %arg5[%mul3A_124, %dma_start3A_125] : memref<819200x128xf32, #tpu.memory_space<hbm>> -> memref<200x64xf32, #tpu.memory_space<hbm>>
      %dma_start3A_127 = arith.constant 0 : i32
      %dma_start3A_128 = tpu.memref_slice %arg5[%mul3A_124, %dma_start3A_127] : memref<819200x128xf32, #tpu.memory_space<hbm>> -> memref<200x64xf32, #tpu.memory_space<hbm>>
      tpu.enqueue_dma source(%arg11 : memref<200x64xf32, #tpu.memory_space<vmem>>) target(%dma_start3A_128 : memref<200x64xf32, #tpu.memory_space<hbm>>) target_semaphore(%arg15 : memref<!tpu.dma_semaphore, #tpu.memory_space<semaphore_mem>>)
    }
    %scan3A_26 = arith.constant 64 : i32
    %mul3A_27 = arith.constant 200 : i32
    %mul3A_28 = arith.muli %mul3A_2, %mul3A_27 : i32
    %dma_wait3A = arith.constant 0 : i32
    %dma_wait3A_29 = tpu.memref_slice %arg5[%mul3A_28, %dma_wait3A] : memref<819200x128xf32, #tpu.memory_space<hbm>> -> memref<200x64xf32, #tpu.memory_space<hbm>>
    %dma_wait3A_30 = arith.constant 0 : i32
    %dma_wait3A_31 = tpu.memref_slice %arg5[%mul3A_28, %dma_wait3A_30] : memref<819200x128xf32, #tpu.memory_space<hbm>> -> memref<200x64xf32, #tpu.memory_space<hbm>>
    tpu.wait_dma2 semaphore(%arg14 : memref<!tpu.dma_semaphore, #tpu.memory_space<semaphore_mem>>) src(%arg10 : memref<200x64xf32, #tpu.memory_space<vmem>>) dst(%dma_wait3A_31 : memref<200x64xf32, #tpu.memory_space<hbm>>)
    %mul3A_32 = arith.constant 200 : i32
    %mul3A_33 = arith.muli %mul3A_2, %mul3A_32 : i32
    %dma_wait3A_34 = arith.constant 0 : i32
    %dma_wait3A_35 = tpu.memref_slice %arg5[%mul3A_33, %dma_wait3A_34] : memref<819200x128xf32, #tpu.memory_space<hbm>> -> memref<200x64xf32, #tpu.memory_space<hbm>>
    %dma_wait3A_36 = arith.constant 0 : i32
    %dma_wait3A_37 = tpu.memref_slice %arg5[%mul3A_33, %dma_wait3A_36] : memref<819200x128xf32, #tpu.memory_space<hbm>> -> memref<200x64xf32, #tpu.memory_space<hbm>>
    tpu.wait_dma2 semaphore(%arg15 : memref<!tpu.dma_semaphore, #tpu.memory_space<semaphore_mem>>) src(%arg11 : memref<200x64xf32, #tpu.memory_space<vmem>>) dst(%dma_wait3A_37 : memref<200x64xf32, #tpu.memory_space<hbm>>)
    return
  }
}

</mosaic_0001>

<sc_bundles>
// kernel: kernel.3.cloned.1.call-start
scs
__scs_entry_jumppad:
0x0: {  	(pc) =	sbr.rel $0x88, $3  }
0x1: {  	(tag) =	ssettag $0x0;
	lr =	simm.s32 $0x1  }
0x2: {  	[smem:$0x3F9F] =	sst lr;
	_ =	strace $0xD0000000  }
0x3: {  	_ = 	snop  }
0x4: {  	_ = 	snop  }
0x5: {  	_ = 	snop  }
0x6: {  	_ = 	snop  }
0x7: {  	_ = 	snop  }
__scs_overlays_trampoline_lowered:
0x8: {  	[smem:$0x3FAE] =	sst s0  }
0x9: {  	[smem:$0x3FAF] =	sst s1  }
0xa: {  	[smem:$0x3FB0] =	sst s2  }
0xb: {  	[smem:$0x3FB1] =	sst s3  }
0xc: {  	[smem:$0x3FB2] =	sst s4  }
0xd: {  	[smem:$0x3FB3] =	sst s5  }
0xe: {  	[smem:$0x3FB4] =	sst s6  }
0xf: {  	[smem:$0x3FB5] =	sst s7  }
0x10: {  	[smem:$0x3FB6] =	sst s8  }
0x11: {  	[smem:$0x3FB7] =	sst s9;
	s0 =	simm.s32 @!p0 $0x0  }
0x12: {  	s1 =	sld [smem:$0x3F9D];
	s0 =	simm.s32 @p0 $0x1  }
0x13: {  	[smem:$0x3FB8] =	sst s0;
	s0 =	simm.s32 @!p1 $0x0  }
0x14: {  	s2 =	sld [smem:$0x3F9C];
	s0 =	simm.s32 @p1 $0x1  }
0x15: {  	[smem:$0x3FB9] =	sst s0;
	s0 =	simm.s32 @!p2 $0x0  }
0x16: {  	s3 =	sld [smem:$0x3FDB];
	s0 =	simm.s32 @p2 $0x1  }
0x17: {  	s4 =	simm.s32 $0x1BF5;
	[smem:$0x3FBB] =	sst s0  }
0x18: {  	s0 =	sld [smem:$0x3F9E];
	_ =	swait.ge [sflag:s4], $0x0  }
0x19: {  	s7 =	sld [smem:$0x3F9F]  }
0x1a: {  	s8 =	sadd.s32 $0xFFFFE003, lr  }
0x1b: {  	s9 =	sadd.s32 $0xFFFFFEF7, lr;
	s5 =	simm.s32 $0xFFFFFFFF;
	p2 =	slt.u32 s8, $0xFFFFF086  }
0x1c: {  	p1 =	slt.u32 s9, $0xF7A;
	s5 =	simm.s32 @!p2 $0x0  }
0x1d: {  	s5 =	simm.s32 @p1 $0x1;
	p0 =	seq.s32 s7, s2  }
0x1e: {  	s7 =	smul.u32 @!p0 $0xF7A, s2;
	p2 =	seq.s32 @!p0 s5, $0x0  }
0x1f: {  	s9 =	smul.u32 $0xF7A, s1;
	s8 =	simm.s32 @!p0 $0x1BF5;
	p2 =	por !p2, p0  }
0x20: {  	[sflag:s8] =	ssyncset.s32 @!p0 $0xFFFFF086;
	s6 =	sadd.s32 @!p0 s3, s7;
	s7 =	simm.s32 @!p0 $0x108  }
0x21: {  	s3 =	sadd.s32 s3, s9;
	s6 =	sadd.s32 @!p0 $0x88, s6;
	s7 =	simm.s32 @p2 $0x1082  }
0x22: {  	[simem:s7], [sflag:s8] =	dma.local @!p0 [hbm:s6], $0xF7A  }
0x23: {  	s9 =	sor.u32 $0xD0000000, s2;
	s6 =	simm.s32 $0x108;
	_ =	swait.ge @!p0 [sflag:s8], $0x0  }
0x24: {  	s3 =	sadd.s32 $0x88, s3;
	s6 =	simm.s32 @!p1 $0x1082;
	[sflag:s4] =	ssyncset.s32 $0xFFFFF086  }
0x25: {  	[simem:s6], [sflag:s4] =	dma.local [hbm:s3], $0xF7A  }
0x26: {  	[smem:$0x3F9F] =	sst s1;
	(tag) =	ssettag s2;
	_ =	strace s9  }
0x27: {  	s1 =	sld [smem:$0x3FAF]  }
0x28: {  	s2 =	sld [smem:$0x3FB0]  }
0x29: {  	s4 =	sld [smem:$0x3FB2]  }
0x2a: {  	p0 =	seq.s32 s5, $0x0;
	s5 =	sld [smem:$0x3FB3]  }
0x2b: {  	s6 =	sld [smem:$0x3FB4]  }
0x2c: {  	s7 =	sld [smem:$0x3FB5]  }
0x2d: {  	s3 =	simm.s32 $0x108;
	s8 =	sld [smem:$0x3FB6]  }
0x2e: {  	s3 =	simm.s32 @!p0 $0x1082;
	s9 =	sld [smem:$0x3FB7]  }
0x2f: {  	lr =	sadd.s32 s0, s3;
	s0 =	sld [smem:$0x3FAE]  }
0x30: {  	s3 =	sld [smem:$0x3FB1]  }
0x31: {  	[smem:$0x3FBA] =	sst s10  }
0x32: {  	s10 =	sld [smem:$0x3FB8];
	_ =	sdelay $0x3  }
0x33: {  	p0 =	seq.s32 s10, $0x1;
	s10 =	sld [smem:$0x3FBA];
	_ =	sdelay $0x3  }
0x34: {  	[smem:$0x3FBA] =	sst s10  }
0x35: {  	s10 =	sld [smem:$0x3FB9];
	_ =	sdelay $0x3  }
0x36: {  	p1 =	seq.s32 s10, $0x1;
	s10 =	sld [smem:$0x3FBA];
	_ =	sdelay $0x3  }
0x37: {  	[smem:$0x3FBA] =	sst s10  }
0x38: {  	s10 =	sld [smem:$0x3FBB]  }
0x39: {  	_ = 	snop;
	(pc) =	sbr.ind lr, $3  }
0x3a: {  	_ = 	snop  }
0x3b: {  	_ = 	snop  }
0x3c: {  	p2 =	seq.s32 s10, $0x1;
	s10 =	sld [smem:$0x3FBA]  }
0x3d: {  	_ =	shalt  }
0x3e: {  	_ =	shalt  }
0x3f: {  	_ =	shalt  }
0x40: {  	_ =	shalt  }
0x41: {  	_ =	shalt  }
0x42: {  	_ =	shalt  }
0x43: {  	_ =	shalt  }
0x44: {  	_ =	shalt  }
0x45: {  	_ =	shalt  }
0x46: {  	_ =	shalt  }
0x47: {  	_ =	shalt  }
0x48: {  	_ =	shalt  }
0x49: {  	_ =	shalt  }
0x4a: {  	_ =	shalt  }
0x4b: {  	_ =	shalt  }
0x4c: {  	_ =	shalt  }
0x4d: {  	_ =	shalt  }
0x4e: {  	_ =	shalt  }
0x4f: {  	_ =	shalt  }
0x50: {  	_ =	shalt  }
0x51: {  	_ =	shalt  }
0x52: {  	_ =	shalt  }
0x53: {  	_ =	shalt  }
0x54: {  	_ =	shalt  }
0x55: {  	_ =	shalt  }
0x56: {  	_ =	shalt  }
0x57: {  	_ =	shalt  }
0x58: {  	_ =	shalt  }
0x59: {  	_ =	shalt  }
0x5a: {  	_ =	shalt  }
0x5b: {  	_ =	shalt  }
0x5c: {  	_ =	shalt  }
0x5d: {  	_ =	shalt  }
0x5e: {  	_ =	shalt  }
0x5f: {  	_ =	shalt  }
0x60: {  	_ =	shalt  }
0x61: {  	_ =	shalt  }
0x62: {  	_ =	shalt  }
0x63: {  	_ =	shalt  }
0x64: {  	_ =	shalt  }
0x65: {  	_ =	shalt  }
0x66: {  	_ =	shalt  }
0x67: {  	_ =	shalt  }
0x68: {  	_ =	shalt  }
0x69: {  	_ =	shalt  }
0x6a: {  	_ =	shalt  }
0x6b: {  	_ =	shalt  }
0x6c: {  	_ =	shalt  }
0x6d: {  	_ =	shalt  }
0x6e: {  	_ =	shalt  }
0x6f: {  	_ =	shalt  }
0x70: {  	_ =	shalt  }
0x71: {  	_ =	shalt  }
0x72: {  	_ =	shalt  }
0x73: {  	_ =	shalt  }
0x74: {  	_ =	shalt  }
0x75: {  	_ =	shalt  }
0x76: {  	_ =	shalt  }
0x77: {  	_ =	shalt  }
0x78: {  	_ =	shalt  }
0x79: {  	_ =	shalt  }
0x7a: {  	_ =	shalt  }
0x7b: {  	_ =	shalt  }
0x7c: {  	_ =	shalt  }
0x7d: {  	_ =	shalt  }
0x7e: {  	_ =	shalt  }
0x7f: {  	_ =	shalt  }
0x80: {  	_ =	shalt  }
0x81: {  	_ =	shalt  }
0x82: {  	_ =	shalt  }
0x83: {  	_ =	shalt  }
0x84: {  	_ =	shalt  }
0x85: {  	_ =	shalt  }
0x86: {  	_ =	shalt  }
0x87: {  	_ =	shalt  }
.Lfunc_end0:
.L_simem_size_0:
called_computation.1_lowered:
.L_overlay_start_0:
0x88: {  	s2 =	sld [smem:$0x3FD9]  }
0x89: {  	s3 =	sld [smem:$0x3FFE];
	_ =	sdelay $0x1  }
0x8a: {  	s1 =	srdreg.scid  }
0x8b: {  	s0 =	sand.u32 $0x1, s1  }
0x8c: {  	s16 =	sshll.u32 s0, $0xA;
	s2 =	sadd.s32 s3, s2  }
0x8d: {  	s2 =	sadd.s32 s2, s16  }
0x8e: {  	[smem:$0x3FC6] =	sst s2  }
0x8f: {  	_ = 	snop  }
0x90: {  	(tm) =	ssettm $0x1  }
0x91: {  	s17 =	sld [smem:$0x3FFB];
	_ =	sdelay $0x3  }
0x92: {  	_ =	strace s17  }
0x93: {  	s2 =	sld [smem:$0x3FFC];
	_ =	sdelay $0x3  }
0x94: {  	_ =	strace s2  }
0x95: {  	s2 =	sld [smem:$0x3FFD];
	_ =	sdelay $0x3  }
0x96: {  	_ =	strace s2  }
0x97: {  	_ =	strace $0x8FFFFFFF  }
0x98: {  	s18 =	sld [smem:$0x3FDB];
	_ =	sdelay $0x1  }
0x99: {  	s19 =	simm.s32 $_scs_section_size  }
0x9a: {  	s4 =	simm.s32 $_size__tile_overlayer_lowered;
	s5 =	simm.s32 $_tile_overlayer_lowered  }
0x9b: {  	s22 =	simm.s32 $0x1BFF;
	s21 =	sshll.u32 s5, $0x1;
	s2 =	sadd.s32 s19, s18  }
0x9c: {  	s6 =	simm.s32 $0x0;
	s20 =	sshll.u32 s4, $0x1;
	s4 =	sadd.s32 s21, s2  }
0x9d: {  	[timem:s6], [sflag:s22] =	dma.local [hbm:s4], s20  }
0x9e: {  	_ =	swait.ge [sflag:s22], s20  }
0x9f: {  	s3 =	ssub.s32 $0x0, s20;
	[sflag:s22] =	ssyncset.done $0x0  }
0xa0: {  	[sflag:s22] =	ssyncadd.s32 s3;
	_ =	sdelay $0x1  }
0xa1: {  	s23 =	simm.s32 $0x1B8B  }
0xa2: {  	_ =	swait.ge [sflag:s23], $0x1  }
0xa3: {  	[sflag:s23] =	ssyncset.done $0x0  }
0xa4: {  	s25 =	simm.s32 $0x1B8E;
	s24 =	sld [smem:$0x3FFE];
	[sflag:s23] =	ssyncadd.s32 $0xFFFFFFFF  }
0xa5: {  	s26 =	simm.s32 $execute0_lowered;
	[smem:$0x3FD2] =	sst s25  }
0xa6: {  	s4 =	sshll.u32 s26, $0x1;
	_ =	strace $0x80000046;
	[dreg:$0x1] =	wrdreg $0xFFFFFFFF  }
0xa7: {  	s28 =	simm.s32 $_size_execute0_lowered;
	s2 =	sadd.s32 s2, s4;
	[dreg:$0x0] =	wrdreg $0x0  }
0xa8: {  	s4 =	sshll.u32 s28, $0x1;
	[dreg:$0x2] =	wrdreg s2  }
0xa9: {  	[dreg:$0x3] =	wrdreg s4  }
0xaa: {  	[dreg:$0x4] =	wrdreg $0xC0  }
0xab: {  	_ =	task [dreg:s6], $0x5FFFF  }
0xac: {  	[dreg:$0x1] =	wrdreg $0xFFFFFFFF  }
0xad: {  	[dreg:$0x0] =	wrdreg $0x60  }
0xae: {  	[dreg:$0x2] =	wrdreg s24  }
0xaf: {  	[dreg:$0x3] =	wrdreg $0x9  }
0xb0: {  	_ =	task.clear_ibuf [dreg:s6], $0x4FFFF;
	_ =	strace $0x90000046  }
0xb1: {  	s29 =	simm.s32 $0x9;
	_ =	strace $0x80000048  }
0xb2: {  	_ =	swait.ge [sflag:s29], $0x1  }
0xb3: {  	[sflag:s29] =	ssyncadd.s32 $0xFFFFFFFF  }
0xb4: {  	_ =	strace $0x90000048  }
0xb5: {  	_ =	sfence  }
0xb6: {  	s30 =	sld [smem:$0x0];
	_ =	sdelay $0x2  }
0xb7: {  	s31 =	sshll.u32 s1, $0xD;
	s1 =	sshrl.u32 s1, $0x2  }
0xb8: {  	s3 =	sand.u32 $0x4000, s31;
	s1 =	sadd.s32 s1, s30  }
0xb9: {  	s0 =	sor.u32 s3, s0;
	s1 =	sshll.u32 s1, $0x11  }
0xba: {  	s0 =	sor.u32 s1, s0  }
0xbb: {  	s0 =	sadd.s32 $0x8F2B, s0  }
0xbc: {  	[sflag:s0] =	ssyncadd.remote.s32 $0x1  }
0xbd: {  	_ =	sfence.sel $0xFFFF  }
0xbe: {  	[dreg:$0x0] =	wrdreg $0xFFFFFFFF;
	(pc) =	sbr.abs _section_cstart, $3  }
0xbf: {  	[dreg:$0x1] =	wrdreg $0xFFFFFFFF  }
0xc0: {  	_ =	task.clear_ibuf [dreg:s6], $0x2FFFF;
	_ =	strace $0x9FFFFFFF  }
0xc1: {  	(tm) =	ssettm $0x7FFFFFFF  }
tec
execute0_lowered:
.L_overlay_start_1:
0x0: {  	(tag) =	ssettag $0x1  }
0x1: {  	s0 =	srdreg.scid;
	s2 =	stileid.u32  }
0x2: {  	s1 =	rddreg [dreg:$0x0];
	s9 =	simm.s32 $0x3200;
	s10 =	simm.s32 $0x5  }
0x3: {  	s11 =	simm.s32 $0x68;
	s12 =	simm.s32 $0x9600;
	s13 =	simm.s32 $0x60  }
0x4: {  	s14 =	simm.s32 $0x3268;
	s15 =	simm.s32 $0xB000;
	s16 =	simm.s32 $0xC800  }
0x5: {  	s17 =	simm.s32 $0xE200;
	s18 =	simm.s32 $0x1;
	s19 =	simm.s32 $0x40  }
0x6: {  	s20 =	simm.s32 $0x80;
	s21 =	simm.s32 $0xFA00;
	s22 =	simm.s32 $0x2  }
0x7: {  	s23 =	simm.s32 $0x12C00;
	s24 =	simm.s32 $0x3;
	s0 =	sand.u32 $0x1, s0  }
0x8: {  	s25 =	simm.s32 $0x4;
	s3 =	sshll.u32 s2, $0x8;
	s4 =	sshll.u32 s0, $0x7  }
0x9: {  	s26 =	simm.s32 $0x0;
	s2 =	simm.s32 $0x0;
	s3 =	sor.u32 s4, s3  }
0xa: {  	[smem:$0x7FF] =	sst s2;
	s0 =	ssub.s32 $0x2, s0;
	s5 =	smul.u32 $0x19, s3  }
0xb: {  	_ =	strace $0x80000047;
	s4 =	sadd.s32 $0x800, s1;
	s6 =	sshrl.u32 s0, $0x1  }
0xc: {  	s0 =	ssub.s32 s0, s6;
	s6 =	sadd.s32 $0xDD600, s1;
	s7 =	sadd.s32 s5, s1  }
0xd: {  	s8 =	smax.u32 s0, $0x1;
	s5 =	sadd.s32 $0x1A000, s1;
	s7 =	sadd.s32 $0x1000, s7  }
.LBB2_1:
0xe: {  	[tilespmem:s9], [sflag:$0x5] =	stream.linear.gather [hbm4b:s7+s2], $0x6400, $0x38;
	[tilespmem:$0x15E00] =	vst v63  }
0xf: {  	_ =	swait.ge [sflag:s10], $0x6400  }
0x10: {  	[sflag:s10] =	ssyncset.done $0x0  }
0x11: {  	[sflag:s10] =	ssyncadd.s32 $0xFFFF9C00  }
0x12: {  	[tilespmem:s2], [sflag:$0x5] =	stream.linear.gather [hbm4b:s4+s2], $0x3200, $0x38;
	[tilespmem:$0x15E00] =	vst v63  }
0x13: {  	_ =	swait.ge [sflag:s10], $0x3200  }
0x14: {  	[sflag:s10] =	ssyncset.done $0x0  }
0x15: {  	[sflag:s10] =	ssyncadd.s32 $0xFFFFCE00  }
0x16: {  	[tilespmem:s12], [sflag:$0x1] =	stream.indirect.gather [hbm4b:s5+s11], $0x40, s9, s11, $0xb8;
	[tilespmem:$0x15E00] =	vst v63  }
0x17: {  	s28 =	simm.s32 $0x0  }
0x18: {  	[tilespmem:s15], [sflag:$0x1] =	stream.indirect.gather [hbm4b:s5+s13], $0x40, s14, s13, $0xb8;
	[tilespmem:$0x15E00] =	vst v63  }
.LBB2_2:
0x19: {  	s0 =	smul.u32 $0x640, s28;
	_ =	sdelay $0x1  }
0x1a: {  	s29 =	sshra.s32 s0, $0x2  }
0x1b: {  	s0 =	sadd.s32 $0x32C8, s29  }
0x1c: {  	[tilespmem:s16], [sflag:$0x2] =	stream.indirect.gather [hbm4b:s5+s11], $0x40, s0, s11, $0xb8;
	[tilespmem:$0x15E00] =	vst v63  }
0x1d: {  	s1 =	sadd.s32 $0x3330, s29  }
0x1e: {  	[tilespmem:s17], [sflag:$0x2] =	stream.indirect.gather [hbm4b:s5+s13], $0x40, s1, s13, $0xb8;
	[tilespmem:$0x15E00] =	vst v63  }
0x1f: {  	_ =	swait.ge [sflag:s18], $0x1A00  }
0x20: {  	[sflag:s18] =	ssyncset.done $0x0  }
0x21: {  	[sflag:s18] =	ssyncadd.s32 $0xFFFFE600  }
0x22: {  	_ =	swait.ge [sflag:s18], $0x1800  }
0x23: {  	p0 =	seq.s32 s28, $0x0;
	[sflag:s18] =	ssyncset.done $0x0  }
0x24: {  	s0 =	simm.s32 @!p0 $0x3;
	[sflag:s18] =	ssyncadd.s32 $0xFFFFE800  }
0x25: {  	_ =	swait.ge @!p0 [sflag:s0], $0x3200  }
0x26: {  	[sflag:s0] =	ssyncset.done @!p0 $0x0  }
0x27: {  	s31 =	simm.s32 $0x0;
	[sflag:s0] =	ssyncadd.s32 @!p0 $0xFFFFCE00  }
0x28: {  	v0 =	vld [tilespmem:s31+$0x97F0]  }
0x29: {  	v1 =	vld [tilespmem:s31+$0x1F0]  }
0x2a: {  	v2 =	vld [tilespmem:s31+$0x9600]  }
0x2b: {  	v3 =	vld [tilespmem:s31+$0x0]  }
0x2c: {  	v4 =	vld [tilespmem:s31+$0x9610]  }
0x2d: {  	v5 =	vld [tilespmem:s31+$0x10]  }
0x2e: {  	v6 =	vld [tilespmem:s31+$0x9620]  }
0x2f: {  	v7 =	vld [tilespmem:s31+$0x9630];
	v0 =	vadd.f32 v1, v0  }
0x30: {  	v1 =	vld [tilespmem:s31+$0x20]  }
0x31: {  	v2 =	vadd.f32 v3, v2;
	[tilespmem:s31+$0xFBF0] =	vst v0;
	v0 =	vld [tilespmem:s31+$0x30]  }
0x32: {  	v3 =	vld [tilespmem:s31+$0x9640]  }
0x33: {  	[tilespmem:s31+$0xFA00] =	vst v2;
	v2 =	vadd.f32 v5, v4;
	v4 =	vld [tilespmem:s31+$0x40]  }
0x34: {  	v5 =	vld [tilespmem:s31+$0x50]  }
0x35: {  	[tilespmem:s31+$0xFA10] =	vst v2;
	v2 =	vld [tilespmem:s31+$0x9650];
	v1 =	vadd.f32 v1, v6  }
0x36: {  	v6 =	vld [tilespmem:s31+$0x60];
	v0 =	vadd.f32 v0, v7  }
0x37: {  	[tilespmem:s31+$0xFA20] =	vst v1;
	v1 =	vld [tilespmem:s31+$0x9660]  }
0x38: {  	[tilespmem:s31+$0xFA30] =	vst v0;
	v0 =	vadd.f32 v4, v3;
	v3 =	vld [tilespmem:s31+$0x9670]  }
0x39: {  	v4 =	vld [tilespmem:s31+$0x70]  }
0x3a: {  	[tilespmem:s31+$0xFA40] =	vst v0;
	v0 =	vadd.f32 v5, v2;
	v2 =	vld [tilespmem:s31+$0x9680]  }
0x3b: {  	v5 =	vld [tilespmem:s31+$0x80]  }
0x3c: {  	[tilespmem:s31+$0xFA50] =	vst v0;
	v0 =	vadd.f32 v6, v1;
	v1 =	vld [tilespmem:s31+$0x9690]  }
0x3d: {  	v6 =	vld [tilespmem:s31+$0x90]  }
0x3e: {  	[tilespmem:s31+$0xFA60] =	vst v0;
	v0 =	vadd.f32 v4, v3;
	v3 =	vld [tilespmem:s31+$0x96A0]  }
0x3f: {  	v4 =	vld [tilespmem:s31+$0xA0]  }
0x40: {  	[tilespmem:s31+$0xFA70] =	vst v0;
	v0 =	vadd.f32 v5, v2;
	v2 =	vld [tilespmem:s31+$0x96B0]  }
0x41: {  	v5 =	vld [tilespmem:s31+$0xB0]  }
0x42: {  	[tilespmem:s31+$0xFA80] =	vst v0;
	v0 =	vadd.f32 v6, v1;
	v1 =	vld [tilespmem:s31+$0x96C0]  }
0x43: {  	v6 =	vld [tilespmem:s31+$0xC0]  }
0x44: {  	[tilespmem:s31+$0xFA90] =	vst v0;
	v0 =	vadd.f32 v4, v3;
	v3 =	vld [tilespmem:s31+$0x96D0]  }
0x45: {  	v4 =	vld [tilespmem:s31+$0xD0]  }
0x46: {  	[tilespmem:s31+$0xFAA0] =	vst v0;
	v0 =	vadd.f32 v5, v2;
	v2 =	vld [tilespmem:s31+$0x96E0]  }
0x47: {  	v5 =	vld [tilespmem:s31+$0xE0]  }
0x48: {  	[tilespmem:s31+$0xFAB0] =	vst v0;
	v0 =	vadd.f32 v6, v1;
	v1 =	vld [tilespmem:s31+$0x96F0]  }
0x49: {  	v6 =	vld [tilespmem:s31+$0xF0]  }
0x4a: {  	[tilespmem:s31+$0xFAC0] =	vst v0;
	v0 =	vadd.f32 v4, v3;
	v3 =	vld [tilespmem:s31+$0x9700]  }
0x4b: {  	v4 =	vld [tilespmem:s31+$0x100]  }
0x4c: {  	[tilespmem:s31+$0xFAD0] =	vst v0;
	v0 =	vadd.f32 v5, v2;
	v2 =	vld [tilespmem:s31+$0x9710]  }
0x4d: {  	v5 =	vld [tilespmem:s31+$0x110]  }
0x4e: {  	[tilespmem:s31+$0xFAE0] =	vst v0;
	v0 =	vadd.f32 v6, v1;
	v1 =	vld [tilespmem:s31+$0x9720]  }
0x4f: {  	v6 =	vld [tilespmem:s31+$0x120]  }
0x50: {  	[tilespmem:s31+$0xFAF0] =	vst v0;
	v0 =	vadd.f32 v4, v3;
	v3 =	vld [tilespmem:s31+$0x9730]  }
0x51: {  	v4 =	vld [tilespmem:s31+$0x130]  }
0x52: {  	[tilespmem:s31+$0xFB00] =	vst v0;
	v0 =	vadd.f32 v5, v2;
	v2 =	vld [tilespmem:s31+$0x9740]  }
0x53: {  	v5 =	vld [tilespmem:s31+$0x140]  }
0x54: {  	[tilespmem:s31+$0xFB10] =	vst v0;
	v0 =	vadd.f32 v6, v1;
	v1 =	vld [tilespmem:s31+$0x9750]  }
0x55: {  	v6 =	vld [tilespmem:s31+$0x150]  }
0x56: {  	[tilespmem:s31+$0xFB20] =	vst v0;
	v0 =	vadd.f32 v4, v3;
	v3 =	vld [tilespmem:s31+$0x9760]  }
0x57: {  	v4 =	vld [tilespmem:s31+$0x160]  }
0x58: {  	[tilespmem:s31+$0xFB30] =	vst v0;
	v0 =	vadd.f32 v5, v2;
	v2 =	vld [tilespmem:s31+$0x9770]  }
0x59: {  	v5 =	vld [tilespmem:s31+$0x170]  }
0x5a: {  	[tilespmem:s31+$0xFB40] =	vst v0;
	v0 =	vadd.f32 v6, v1;
	v1 =	vld [tilespmem:s31+$0x9780]  }
0x5b: {  	v6 =	vld [tilespmem:s31+$0x180]  }
0x5c: {  	[tilespmem:s31+$0xFB50] =	vst v0;
	v0 =	vadd.f32 v4, v3;
	v3 =	vld [tilespmem:s31+$0x9790]  }
0x5d: {  	v4 =	vld [tilespmem:s31+$0x190]  }
0x5e: {  	[tilespmem:s31+$0xFB60] =	vst v0;
	v0 =	vadd.f32 v5, v2;
	v2 =	vld [tilespmem:s31+$0x97A0]  }
0x5f: {  	v5 =	vld [tilespmem:s31+$0x1A0]  }
0x60: {  	[tilespmem:s31+$0xFB70] =	vst v0;
	v0 =	vadd.f32 v6, v1;
	v1 =	vld [tilespmem:s31+$0x97B0]  }
0x61: {  	v6 =	vld [tilespmem:s31+$0x1B0]  }
0x62: {  	v8 =	vld [tilespmem:s31+$0x1C0]  }
0x63: {  	v7 =	vld [tilespmem:s31+$0x97C0];
	[tilespmem:s31+$0xFB80] =	vst v0;
	v0 =	vadd.f32 v4, v3  }
0x64: {  	v3 =	vld [tilespmem:s31+$0x1D0]  }
0x65: {  	[tilespmem:s31+$0xFB90] =	vst v0;
	v0 =	vadd.f32 v5, v2;
	v2 =	vld [tilespmem:s31+$0x97D0]  }
0x66: {  	v4 =	vld [tilespmem:s31+$0x1E0];
	v5 =	vadd.f32 v6, v1  }
0x67: {  	s0 =	simm.s32 $0x200;
	[tilespmem:s31+$0xFBA0] =	vst v0;
	v0 =	vld [tilespmem:s31+$0x97E0]  }
0x68: {  	s30 =	sshll.u32 s28, $0x1;
	s1 =	simm.s32 $0x1000;
	v1 =	vld [tilespmem:s0+$0x97F0];
	[tilespmem:s31+$0xFBB0] =	vst v5;
	v5 =	vadd.f32 v8, v7  }
.LBB2_3:
0x69: {  	p1 =	sne.s32 s1, $0xC000;
	v6 =	vld [tilespmem:s0+$0x1F0]  }
0x6a: {  	v7 =	vld [tilespmem:s0+$0x9600];
	[tilespmem:s31+$0xFBC0] =	vst v5;
	v2 =	vadd.f32 v3, v2  }
0x6b: {  	v3 =	vld [tilespmem:s0+$0x0]  }
0x6c: {  	v5 =	vld [tilespmem:s0+$0x9610];
	[tilespmem:s31+$0xFBD0] =	vst v2;
	v0 =	vadd.f32 v4, v0  }
0x6d: {  	v2 =	vld [tilespmem:s0+$0x10]  }
0x6e: {  	v4 =	vld [tilespmem:s0+$0x9620];
	v1 =	vadd.f32 v6, v1;
	[tilespmem:s31+$0xFBE0] =	vst v0;
	s31 =	smov.u32 s0  }
0x6f: {  	v0 =	vld [tilespmem:s31+$0x20]  }
0x70: {  	v3 =	vadd.f32 v3, v7;
	v6 =	vld [tilespmem:s31+$0x9630];
	[tilespmem:s31+$0xFBF0] =	vst v1  }
0x71: {  	v1 =	vld [tilespmem:s31+$0x30]  }
0x72: {  	[tilespmem:s31+$0xFA00] =	vst v3;
	v2 =	vadd.f32 v2, v5;
	v3 =	vld [tilespmem:s31+$0x9640]  }
0x73: {  	v5 =	vld [tilespmem:s31+$0x40]  }
0x74: {  	[tilespmem:s31+$0xFA10] =	vst v2;
	v0 =	vadd.f32 v0, v4;
	v2 =	vld [tilespmem:s31+$0x9650]  }
0x75: {  	v4 =	vld [tilespmem:s31+$0x50]  }
0x76: {  	[tilespmem:s31+$0xFA20] =	vst v0;
	v0 =	vadd.f32 v1, v6;
	v1 =	vld [tilespmem:s31+$0x9660]  }
0x77: {  	v6 =	vld [tilespmem:s31+$0x60]  }
0x78: {  	[tilespmem:s31+$0xFA30] =	vst v0;
	v0 =	vadd.f32 v5, v3;
	v3 =	vld [tilespmem:s31+$0x9670]  }
0x79: {  	v5 =	vld [tilespmem:s31+$0x70]  }
0x7a: {  	[tilespmem:s31+$0xFA40] =	vst v0;
	v0 =	vadd.f32 v4, v2;
	v2 =	vld [tilespmem:s31+$0x9680]  }
0x7b: {  	v4 =	vld [tilespmem:s31+$0x80]  }
0x7c: {  	[tilespmem:s31+$0xFA50] =	vst v0;
	v0 =	vadd.f32 v6, v1;
	v1 =	vld [tilespmem:s31+$0x9690]  }
0x7d: {  	v6 =	vld [tilespmem:s31+$0x90]  }
0x7e: {  	[tilespmem:s31+$0xFA60] =	vst v0;
	v0 =	vadd.f32 v5, v3;
	v3 =	vld [tilespmem:s31+$0x96A0]  }
0x7f: {  	v5 =	vld [tilespmem:s31+$0xA0]  }
0x80: {  	[tilespmem:s31+$0xFA70] =	vst v0;
	v0 =	vadd.f32 v4, v2;
	v2 =	vld [tilespmem:s31+$0x96B0]  }
0x81: {  	v4 =	vld [tilespmem:s31+$0xB0]  }
0x82: {  	[tilespmem:s31+$0xFA80] =	vst v0;
	v0 =	vadd.f32 v6, v1;
	v1 =	vld [tilespmem:s31+$0x96C0]  }
0x83: {  	v6 =	vld [tilespmem:s31+$0xC0]  }
0x84: {  	[tilespmem:s31+$0xFA90] =	vst v0;
	v0 =	vadd.f32 v5, v3;
	v3 =	vld [tilespmem:s31+$0x96D0]  }
0x85: {  	v5 =	vld [tilespmem:s31+$0xD0]  }
0x86: {  	[tilespmem:s31+$0xFAA0] =	vst v0;
	v0 =	vadd.f32 v4, v2;
	v2 =	vld [tilespmem:s31+$0x96E0]  }
0x87: {  	v4 =	vld [tilespmem:s31+$0xE0]  }
0x88: {  	[tilespmem:s31+$0xFAB0] =	vst v0;
	v0 =	vadd.f32 v6, v1;
	v1 =	vld [tilespmem:s31+$0x96F0]  }
0x89: {  	v6 =	vld [tilespmem:s31+$0xF0]  }
0x8a: {  	[tilespmem:s31+$0xFAC0] =	vst v0;
	v0 =	vadd.f32 v5, v3;
	v3 =	vld [tilespmem:s31+$0x9700]  }
0x8b: {  	v5 =	vld [tilespmem:s31+$0x100]  }
0x8c: {  	[tilespmem:s31+$0xFAD0] =	vst v0;
	v0 =	vadd.f32 v4, v2;
	v2 =	vld [tilespmem:s31+$0x9710]  }
0x8d: {  	v4 =	vld [tilespmem:s31+$0x110]  }
0x8e: {  	[tilespmem:s31+$0xFAE0] =	vst v0;
	v0 =	vadd.f32 v6, v1;
	v1 =	vld [tilespmem:s31+$0x9720]  }
0x8f: {  	v6 =	vld [tilespmem:s31+$0x120]  }
0x90: {  	[tilespmem:s31+$0xFAF0] =	vst v0;
	v0 =	vadd.f32 v5, v3;
	v3 =	vld [tilespmem:s31+$0x9730]  }
0x91: {  	v5 =	vld [tilespmem:s31+$0x130]  }
0x92: {  	[tilespmem:s31+$0xFB00] =	vst v0;
	v0 =	vadd.f32 v4, v2;
	v2 =	vld [tilespmem:s31+$0x9740]  }
0x93: {  	v4 =	vld [tilespmem:s31+$0x140]  }
0x94: {  	[tilespmem:s31+$0xFB10] =	vst v0;
	v0 =	vadd.f32 v6, v1;
	v1 =	vld [tilespmem:s31+$0x9750]  }
0x95: {  	v6 =	vld [tilespmem:s31+$0x150]  }
0x96: {  	[tilespmem:s31+$0xFB20] =	vst v0;
	v0 =	vadd.f32 v5, v3;
	v3 =	vld [tilespmem:s31+$0x9760]  }
0x97: {  	v5 =	vld [tilespmem:s31+$0x160]  }
0x98: {  	[tilespmem:s31+$0xFB30] =	vst v0;
	v0 =	vadd.f32 v4, v2;
	v2 =	vld [tilespmem:s31+$0x9770]  }
0x99: {  	v4 =	vld [tilespmem:s31+$0x170]  }
0x9a: {  	[tilespmem:s31+$0xFB40] =	vst v0;
	v0 =	vadd.f32 v6, v1;
	v1 =	vld [tilespmem:s31+$0x9780]  }
0x9b: {  	v6 =	vld [tilespmem:s31+$0x180]  }
0x9c: {  	[tilespmem:s31+$0xFB50] =	vst v0;
	v0 =	vadd.f32 v5, v3;
	v3 =	vld [tilespmem:s31+$0x9790]  }
0x9d: {  	v5 =	vld [tilespmem:s31+$0x190]  }
0x9e: {  	[tilespmem:s31+$0xFB60] =	vst v0;
	v0 =	vadd.f32 v4, v2;
	v2 =	vld [tilespmem:s31+$0x97A0]  }
0x9f: {  	v4 =	vld [tilespmem:s31+$0x1A0]  }
0xa0: {  	[tilespmem:s31+$0xFB70] =	vst v0;
	v0 =	vadd.f32 v6, v1;
	v1 =	vld [tilespmem:s31+$0x97B0]  }
0xa1: {  	v6 =	vld [tilespmem:s31+$0x1B0]  }
0xa2: {  	[tilespmem:s31+$0xFB80] =	vst v0;
	v0 =	vadd.f32 v5, v3;
	v5 =	vld [tilespmem:s31+$0x97C0]  }
0xa3: {  	v7 =	vld [tilespmem:s31+$0x1C0]  }
.Ltmp0:
0xa4: {  	[tilespmem:s31+$0xFB90] =	vst v0;
	v0 =	vadd.f32 v4, v2;
	v2 =	vld [tilespmem:s31+$0x97D0];
	(pc) =	sbr.rel @p1 .LBB2_3-.Ltmp0, $4  }
0xa5: {  	v3 =	vld [tilespmem:s31+$0x1D0]  }
0xa6: {  	[tilespmem:s31+$0xFBA0] =	vst v0;
	v6 =	vadd.f32 v6, v1;
	v0 =	vld [tilespmem:s31+$0x97E0]  }
0xa7: {  	s0 =	sshra.s32 s1, $0x2;
	v4 =	vld [tilespmem:s31+$0x1E0]  }
0xa8: {  	s1 =	sadd.s32 $0x800, s1;
	v1 =	vld [tilespmem:s0+$0x97F0];
	[tilespmem:s31+$0xFBB0] =	vst v6;
	v5 =	vadd.f32 v7, v5  }
0xa9: {  	v6 =	vld [tilespmem:s0+$0x1F0]  }
0xaa: {  	v7 =	vld [tilespmem:s0+$0x9600];
	[tilespmem:s31+$0xFBC0] =	vst v5;
	v2 =	vadd.f32 v3, v2  }
0xab: {  	v3 =	vld [tilespmem:s0+$0x0]  }
0xac: {  	v5 =	vld [tilespmem:s0+$0x9610];
	[tilespmem:s31+$0xFBD0] =	vst v2;
	v0 =	vadd.f32 v4, v0  }
0xad: {  	v2 =	vld [tilespmem:s0+$0x10]  }
0xae: {  	v4 =	vld [tilespmem:s0+$0x9620];
	[tilespmem:s31+$0xFBE0] =	vst v0  }
0xaf: {  	v0 =	vadd.f32 v6, v1;
	v1 =	vld [tilespmem:s0+$0x20]  }
0xb0: {  	v6 =	vld [tilespmem:s0+$0x9630]  }
0xb1: {  	v3 =	vadd.f32 v3, v7;
	[tilespmem:s0+$0xFBF0] =	vst v0;
	v0 =	vld [tilespmem:s0+$0x30]  }
0xb2: {  	v7 =	vld [tilespmem:s0+$0x1E0]  }
0xb3: {  	[tilespmem:s0+$0xFA00] =	vst v3;
	v2 =	vadd.f32 v2, v5;
	v3 =	vld [tilespmem:s0+$0x9640]  }
0xb4: {  	v5 =	vld [tilespmem:s0+$0x40]  }
0xb5: {  	[tilespmem:s0+$0xFA10] =	vst v2;
	v2 =	vld [tilespmem:s0+$0x9650]  }
0xb6: {  	v1 =	vadd.f32 v1, v4;
	v4 =	vld [tilespmem:s0+$0x50]  }
0xb7: {  	v0 =	vadd.f32 v0, v6;
	v6 =	vld [tilespmem:s0+$0x60]  }
0xb8: {  	[tilespmem:s0+$0xFA20] =	vst v1;
	v1 =	vld [tilespmem:s0+$0x9660]  }
0xb9: {  	[tilespmem:s0+$0xFA30] =	vst v0;
	v0 =	vadd.f32 v5, v3;
	v3 =	vld [tilespmem:s0+$0x9670]  }
0xba: {  	v5 =	vld [tilespmem:s0+$0x70]  }
0xbb: {  	[tilespmem:s0+$0xFA40] =	vst v0;
	v0 =	vadd.f32 v4, v2;
	v2 =	vld [tilespmem:s0+$0x9680]  }
0xbc: {  	v4 =	vld [tilespmem:s0+$0x80]  }
0xbd: {  	[tilespmem:s0+$0xFA50] =	vst v0;
	v0 =	vadd.f32 v6, v1;
	v1 =	vld [tilespmem:s0+$0x9690]  }
0xbe: {  	v6 =	vld [tilespmem:s0+$0x90]  }
0xbf: {  	[tilespmem:s0+$0xFA60] =	vst v0;
	v0 =	vadd.f32 v5, v3;
	v3 =	vld [tilespmem:s0+$0x96A0]  }
0xc0: {  	v5 =	vld [tilespmem:s0+$0xA0]  }
0xc1: {  	[tilespmem:s0+$0xFA70] =	vst v0;
	v0 =	vadd.f32 v4, v2;
	v2 =	vld [tilespmem:s0+$0x96B0]  }
0xc2: {  	v4 =	vld [tilespmem:s0+$0xB0]  }
0xc3: {  	[tilespmem:s0+$0xFA80] =	vst v0;
	v0 =	vadd.f32 v6, v1;
	v1 =	vld [tilespmem:s0+$0x96C0]  }
0xc4: {  	v6 =	vld [tilespmem:s0+$0xC0]  }
0xc5: {  	[tilespmem:s0+$0xFA90] =	vst v0;
	v0 =	vadd.f32 v5, v3;
	v3 =	vld [tilespmem:s0+$0x96D0]  }
0xc6: {  	v5 =	vld [tilespmem:s0+$0xD0]  }
0xc7: {  	[tilespmem:s0+$0xFAA0] =	vst v0;
	v0 =	vadd.f32 v4, v2;
	v2 =	vld [tilespmem:s0+$0x96E0]  }
0xc8: {  	v4 =	vld [tilespmem:s0+$0xE0]  }
0xc9: {  	[tilespmem:s0+$0xFAB0] =	vst v0;
	v0 =	vadd.f32 v6, v1;
	v1 =	vld [tilespmem:s0+$0x96F0]  }
0xca: {  	v6 =	vld [tilespmem:s0+$0xF0]  }
0xcb: {  	[tilespmem:s0+$0xFAC0] =	vst v0;
	v0 =	vadd.f32 v5, v3;
	v3 =	vld [tilespmem:s0+$0x9700]  }
0xcc: {  	v5 =	vld [tilespmem:s0+$0x100]  }
0xcd: {  	[tilespmem:s0+$0xFAD0] =	vst v0;
	v0 =	vadd.f32 v4, v2;
	v2 =	vld [tilespmem:s0+$0x9710]  }
0xce: {  	v4 =	vld [tilespmem:s0+$0x110]  }
0xcf: {  	[tilespmem:s0+$0xFAE0] =	vst v0;
	v0 =	vadd.f32 v6, v1;
	v1 =	vld [tilespmem:s0+$0x9720]  }
0xd0: {  	v6 =	vld [tilespmem:s0+$0x120]  }
0xd1: {  	[tilespmem:s0+$0xFAF0] =	vst v0;
	v0 =	vadd.f32 v5, v3;
	v3 =	vld [tilespmem:s0+$0x9730]  }
0xd2: {  	v5 =	vld [tilespmem:s0+$0x130]  }
0xd3: {  	[tilespmem:s0+$0xFB00] =	vst v0;
	v0 =	vadd.f32 v4, v2;
	v2 =	vld [tilespmem:s0+$0x9740]  }
0xd4: {  	v4 =	vld [tilespmem:s0+$0x140]  }
0xd5: {  	[tilespmem:s0+$0xFB10] =	vst v0;
	v0 =	vadd.f32 v6, v1;
	v1 =	vld [tilespmem:s0+$0x9750]  }
0xd6: {  	v6 =	vld [tilespmem:s0+$0x150]  }
0xd7: {  	[tilespmem:s0+$0xFB20] =	vst v0;
	v0 =	vadd.f32 v5, v3;
	v3 =	vld [tilespmem:s0+$0x9760]  }
0xd8: {  	v5 =	vld [tilespmem:s0+$0x160]  }
0xd9: {  	[tilespmem:s0+$0xFB30] =	vst v0;
	v0 =	vadd.f32 v4, v2;
	v2 =	vld [tilespmem:s0+$0x9770]  }
0xda: {  	v4 =	vld [tilespmem:s0+$0x170]  }
0xdb: {  	[tilespmem:s0+$0xFB40] =	vst v0;
	v0 =	vadd.f32 v6, v1;
	v1 =	vld [tilespmem:s0+$0x9780]  }
0xdc: {  	v6 =	vld [tilespmem:s0+$0x180]  }
0xdd: {  	[tilespmem:s0+$0xFB50] =	vst v0;
	v0 =	vadd.f32 v5, v3;
	v3 =	vld [tilespmem:s0+$0x9790]  }
0xde: {  	v5 =	vld [tilespmem:s0+$0x190]  }
0xdf: {  	[tilespmem:s0+$0xFB60] =	vst v0;
	v0 =	vadd.f32 v4, v2;
	v2 =	vld [tilespmem:s0+$0x97A0]  }
0xe0: {  	v4 =	vld [tilespmem:s0+$0x1A0]  }
0xe1: {  	[tilespmem:s0+$0xFB70] =	vst v0;
	v0 =	vadd.f32 v6, v1;
	v1 =	vld [tilespmem:s0+$0x97B0]  }
0xe2: {  	v6 =	vld [tilespmem:s0+$0x1B0]  }
0xe3: {  	[tilespmem:s0+$0xFB80] =	vst v0;
	v0 =	vadd.f32 v5, v3;
	v3 =	vld [tilespmem:s0+$0x97C0]  }
0xe4: {  	v5 =	vld [tilespmem:s0+$0x1C0]  }
0xe5: {  	[tilespmem:s0+$0xFB90] =	vst v0;
	v0 =	vadd.f32 v4, v2;
	v2 =	vld [tilespmem:s0+$0x97D0]  }
0xe6: {  	v4 =	vld [tilespmem:s0+$0x1D0]  }
0xe7: {  	[tilespmem:s0+$0xFBA0] =	vst v0;
	v0 =	vld [tilespmem:s0+$0x97E0];
	_ =	sdelay $0x1  }
0xe8: {  	v1 =	vadd.f32 v6, v1  }
0xe9: {  	v3 =	vadd.f32 v5, v3  }
0xea: {  	s1 =	sadd.s32 s3, s30;
	[tilespmem:s0+$0xFBB0] =	vst v1;
	v1 =	vadd.f32 v4, v2  }
0xeb: {  	s1 =	smul.u32 $0xC80, s1;
	[tilespmem:s0+$0xFBC0] =	vst v3;
	v0 =	vadd.f32 v7, v0  }
0xec: {  	s30 =	sor.u32 $0x1, s30;
	[tilespmem:s0+$0xFBD0] =	vst v1  }
0xed: {  	p1 =	sgt.u32 s30, $0x7E;
	s31 =	sadd.s32 s6, s1;
	[tilespmem:s0+$0xFBE0] =	vst v0  }
0xee: {  	[hbm4b:s31+s19] =	stream.strided.scatter [tilespmem:s21], [sflag:$0x3], $0x3200, s20, s19, $0x38;
	[tilespmem:$0x15E00] =	vst v63  }
0xef: {  	s1 =	simm.s32 @!p1 $0x68;
	s0 =	sadd.s32 @!p1 $0x3390, s29;
	s31 =	simm.s32 @!p1 $0x9600  }
0xf0: {  	[tilespmem:s31], [sflag:$0x1] =	stream.indirect.gather @!p1 [hbm4b:s5+s1], $0x40, s0, s1, $0xb8;
	[tilespmem:$0x15E00] =	vst v63  }
0xf1: {  	s0 =	sadd.s32 @!p1 $0x33F8, s29;
	s1 =	simm.s32 @!p1 $0x60;
	s29 =	simm.s32 @!p1 $0xB000  }
0xf2: {  	[tilespmem:s29], [sflag:$0x1] =	stream.indirect.gather @!p1 [hbm4b:s5+s1], $0x40, s0, s1, $0xb8;
	[tilespmem:$0x15E00] =	vst v63  }
0xf3: {  	_ =	swait.ge [sflag:s22], $0x1A00  }
0xf4: {  	[sflag:s22] =	ssyncset.done $0x0  }
0xf5: {  	[sflag:s22] =	ssyncadd.s32 $0xFFFFE600  }
0xf6: {  	_ =	swait.ge [sflag:s22], $0x1800  }
0xf7: {  	[sflag:s22] =	ssyncset.done $0x0  }
0xf8: {  	s0 =	simm.s32 @!p0 $0x4;
	[sflag:s22] =	ssyncadd.s32 $0xFFFFE800  }
0xf9: {  	_ =	swait.ge @!p0 [sflag:s0], $0x3200  }
0xfa: {  	[sflag:s0] =	ssyncset.done @!p0 $0x0  }
0xfb: {  	s29 =	simm.s32 $0x0;
	[sflag:s0] =	ssyncadd.s32 @!p0 $0xFFFFCE00  }
0xfc: {  	v0 =	vld [tilespmem:s29+$0xC9F0]  }
0xfd: {  	v1 =	vld [tilespmem:s29+$0x1F0]  }
0xfe: {  	v2 =	vld [tilespmem:s29+$0xC800]  }
0xff: {  	v3 =	vld [tilespmem:s29+$0x0]  }
0x100: {  	v4 =	vld [tilespmem:s29+$0xC810]  }
0x101: {  	v5 =	vld [tilespmem:s29+$0x10]  }
0x102: {  	v6 =	vld [tilespmem:s29+$0xC820]  }
0x103: {  	v7 =	vld [tilespmem:s29+$0xC830];
	v0 =	vadd.f32 v1, v0  }
0x104: {  	v1 =	vld [tilespmem:s29+$0x20]  }
0x105: {  	v2 =	vadd.f32 v3, v2;
	[tilespmem:s29+$0x12DF0] =	vst v0;
	v0 =	vld [tilespmem:s29+$0x30]  }
0x106: {  	v3 =	vld [tilespmem:s29+$0xC840]  }
0x107: {  	[tilespmem:s29+$0x12C00] =	vst v2;
	v2 =	vadd.f32 v5, v4;
	v4 =	vld [tilespmem:s29+$0x40]  }
0x108: {  	v5 =	vld [tilespmem:s29+$0x50]  }
0x109: {  	[tilespmem:s29+$0x12C10] =	vst v2;
	v2 =	vld [tilespmem:s29+$0xC850];
	v1 =	vadd.f32 v1, v6  }
0x10a: {  	v6 =	vld [tilespmem:s29+$0x60];
	v0 =	vadd.f32 v0, v7  }
0x10b: {  	[tilespmem:s29+$0x12C20] =	vst v1;
	v1 =	vld [tilespmem:s29+$0xC860]  }
0x10c: {  	[tilespmem:s29+$0x12C30] =	vst v0;
	v0 =	vadd.f32 v4, v3;
	v3 =	vld [tilespmem:s29+$0xC870]  }
0x10d: {  	v4 =	vld [tilespmem:s29+$0x70]  }
0x10e: {  	[tilespmem:s29+$0x12C40] =	vst v0;
	v0 =	vadd.f32 v5, v2;
	v2 =	vld [tilespmem:s29+$0xC880]  }
0x10f: {  	v5 =	vld [tilespmem:s29+$0x80]  }
0x110: {  	[tilespmem:s29+$0x12C50] =	vst v0;
	v0 =	vadd.f32 v6, v1;
	v1 =	vld [tilespmem:s29+$0xC890]  }
0x111: {  	v6 =	vld [tilespmem:s29+$0x90]  }
0x112: {  	[tilespmem:s29+$0x12C60] =	vst v0;
	v0 =	vadd.f32 v4, v3;
	v3 =	vld [tilespmem:s29+$0xC8A0]  }
0x113: {  	v4 =	vld [tilespmem:s29+$0xA0]  }
0x114: {  	[tilespmem:s29+$0x12C70] =	vst v0;
	v0 =	vadd.f32 v5, v2;
	v2 =	vld [tilespmem:s29+$0xC8B0]  }
0x115: {  	v5 =	vld [tilespmem:s29+$0xB0]  }
0x116: {  	[tilespmem:s29+$0x12C80] =	vst v0;
	v0 =	vadd.f32 v6, v1;
	v1 =	vld [tilespmem:s29+$0xC8C0]  }
0x117: {  	v6 =	vld [tilespmem:s29+$0xC0]  }
0x118: {  	[tilespmem:s29+$0x12C90] =	vst v0;
	v0 =	vadd.f32 v4, v3;
	v3 =	vld [tilespmem:s29+$0xC8D0]  }
0x119: {  	v4 =	vld [tilespmem:s29+$0xD0]  }
0x11a: {  	[tilespmem:s29+$0x12CA0] =	vst v0;
	v0 =	vadd.f32 v5, v2;
	v2 =	vld [tilespmem:s29+$0xC8E0]  }
0x11b: {  	v5 =	vld [tilespmem:s29+$0xE0]  }
0x11c: {  	[tilespmem:s29+$0x12CB0] =	vst v0;
	v0 =	vadd.f32 v6, v1;
	v1 =	vld [tilespmem:s29+$0xC8F0]  }
0x11d: {  	v6 =	vld [tilespmem:s29+$0xF0]  }
0x11e: {  	[tilespmem:s29+$0x12CC0] =	vst v0;
	v0 =	vadd.f32 v4, v3;
	v3 =	vld [tilespmem:s29+$0xC900]  }
0x11f: {  	v4 =	vld [tilespmem:s29+$0x100]  }
0x120: {  	[tilespmem:s29+$0x12CD0] =	vst v0;
	v0 =	vadd.f32 v5, v2;
	v2 =	vld [tilespmem:s29+$0xC910]  }
0x121: {  	v5 =	vld [tilespmem:s29+$0x110]  }
0x122: {  	[tilespmem:s29+$0x12CE0] =	vst v0;
	v0 =	vadd.f32 v6, v1;
	v1 =	vld [tilespmem:s29+$0xC920]  }
0x123: {  	v6 =	vld [tilespmem:s29+$0x120]  }
0x124: {  	[tilespmem:s29+$0x12CF0] =	vst v0;
	v0 =	vadd.f32 v4, v3;
	v3 =	vld [tilespmem:s29+$0xC930]  }
0x125: {  	v4 =	vld [tilespmem:s29+$0x130]  }
0x126: {  	[tilespmem:s29+$0x12D00] =	vst v0;
	v0 =	vadd.f32 v5, v2;
	v2 =	vld [tilespmem:s29+$0xC940]  }
0x127: {  	v5 =	vld [tilespmem:s29+$0x140]  }
0x128: {  	[tilespmem:s29+$0x12D10] =	vst v0;
	v0 =	vadd.f32 v6, v1;
	v1 =	vld [tilespmem:s29+$0xC950]  }
0x129: {  	v6 =	vld [tilespmem:s29+$0x150]  }
0x12a: {  	[tilespmem:s29+$0x12D20] =	vst v0;
	v0 =	vadd.f32 v4, v3;
	v3 =	vld [tilespmem:s29+$0xC960]  }
0x12b: {  	v4 =	vld [tilespmem:s29+$0x160]  }
0x12c: {  	[tilespmem:s29+$0x12D30] =	vst v0;
	v0 =	vadd.f32 v5, v2;
	v2 =	vld [tilespmem:s29+$0xC970]  }
0x12d: {  	v5 =	vld [tilespmem:s29+$0x170]  }
0x12e: {  	[tilespmem:s29+$0x12D40] =	vst v0;
	v0 =	vadd.f32 v6, v1;
	v1 =	vld [tilespmem:s29+$0xC980]  }
0x12f: {  	v6 =	vld [tilespmem:s29+$0x180]  }
0x130: {  	[tilespmem:s29+$0x12D50] =	vst v0;
	v0 =	vadd.f32 v4, v3;
	v3 =	vld [tilespmem:s29+$0xC990]  }
0x131: {  	v4 =	vld [tilespmem:s29+$0x190]  }
0x132: {  	[tilespmem:s29+$0x12D60] =	vst v0;
	v0 =	vadd.f32 v5, v2;
	v2 =	vld [tilespmem:s29+$0xC9A0]  }
0x133: {  	v5 =	vld [tilespmem:s29+$0x1A0]  }
0x134: {  	[tilespmem:s29+$0x12D70] =	vst v0;
	v0 =	vadd.f32 v6, v1;
	v1 =	vld [tilespmem:s29+$0xC9B0]  }
0x135: {  	v6 =	vld [tilespmem:s29+$0x1B0]  }
0x136: {  	v8 =	vld [tilespmem:s29+$0x1C0]  }
0x137: {  	v7 =	vld [tilespmem:s29+$0xC9C0];
	[tilespmem:s29+$0x12D80] =	vst v0;
	v0 =	vadd.f32 v4, v3  }
0x138: {  	v3 =	vld [tilespmem:s29+$0x1D0]  }
0x139: {  	[tilespmem:s29+$0x12D90] =	vst v0;
	v0 =	vadd.f32 v5, v2;
	v2 =	vld [tilespmem:s29+$0xC9D0]  }
0x13a: {  	v4 =	vld [tilespmem:s29+$0x1E0];
	v5 =	vadd.f32 v6, v1  }
0x13b: {  	s0 =	simm.s32 $0x200;
	[tilespmem:s29+$0x12DA0] =	vst v0;
	v0 =	vld [tilespmem:s29+$0xC9E0]  }
0x13c: {  	s1 =	simm.s32 $0x1000;
	v1 =	vld [tilespmem:s0+$0xC9F0];
	[tilespmem:s29+$0x12DB0] =	vst v5;
	v5 =	vadd.f32 v8, v7  }
.LBB2_5:
0x13d: {  	p0 =	sne.s32 s1, $0xC000;
	v6 =	vld [tilespmem:s0+$0x1F0]  }
0x13e: {  	v7 =	vld [tilespmem:s0+$0xC800];
	[tilespmem:s29+$0x12DC0] =	vst v5;
	v2 =	vadd.f32 v3, v2  }
0x13f: {  	v3 =	vld [tilespmem:s0+$0x0]  }
0x140: {  	v5 =	vld [tilespmem:s0+$0xC810];
	[tilespmem:s29+$0x12DD0] =	vst v2;
	v0 =	vadd.f32 v4, v0  }
0x141: {  	v2 =	vld [tilespmem:s0+$0x10]  }
0x142: {  	v4 =	vld [tilespmem:s0+$0xC820];
	v1 =	vadd.f32 v6, v1;
	[tilespmem:s29+$0x12DE0] =	vst v0;
	s29 =	smov.u32 s0  }
0x143: {  	v0 =	vld [tilespmem:s29+$0x20]  }
0x144: {  	v3 =	vadd.f32 v3, v7;
	v6 =	vld [tilespmem:s29+$0xC830];
	[tilespmem:s29+$0x12DF0] =	vst v1  }
0x145: {  	v1 =	vld [tilespmem:s29+$0x30]  }
0x146: {  	[tilespmem:s29+$0x12C00] =	vst v3;
	v2 =	vadd.f32 v2, v5;
	v3 =	vld [tilespmem:s29+$0xC840]  }
0x147: {  	v5 =	vld [tilespmem:s29+$0x40]  }
0x148: {  	[tilespmem:s29+$0x12C10] =	vst v2;
	v0 =	vadd.f32 v0, v4;
	v2 =	vld [tilespmem:s29+$0xC850]  }
0x149: {  	v4 =	vld [tilespmem:s29+$0x50]  }
0x14a: {  	[tilespmem:s29+$0x12C20] =	vst v0;
	v0 =	vadd.f32 v1, v6;
	v1 =	vld [tilespmem:s29+$0xC860]  }
0x14b: {  	v6 =	vld [tilespmem:s29+$0x60]  }
0x14c: {  	[tilespmem:s29+$0x12C30] =	vst v0;
	v0 =	vadd.f32 v5, v3;
	v3 =	vld [tilespmem:s29+$0xC870]  }
0x14d: {  	v5 =	vld [tilespmem:s29+$0x70]  }
0x14e: {  	[tilespmem:s29+$0x12C40] =	vst v0;
	v0 =	vadd.f32 v4, v2;
	v2 =	vld [tilespmem:s29+$0xC880]  }
0x14f: {  	v4 =	vld [tilespmem:s29+$0x80]  }
0x150: {  	[tilespmem:s29+$0x12C50] =	vst v0;
	v0 =	vadd.f32 v6, v1;
	v1 =	vld [tilespmem:s29+$0xC890]  }
0x151: {  	v6 =	vld [tilespmem:s29+$0x90]  }
0x152: {  	[tilespmem:s29+$0x12C60] =	vst v0;
	v0 =	vadd.f32 v5, v3;
	v3 =	vld [tilespmem:s29+$0xC8A0]  }
0x153: {  	v5 =	vld [tilespmem:s29+$0xA0]  }
0x154: {  	[tilespmem:s29+$0x12C70] =	vst v0;
	v0 =	vadd.f32 v4, v2;
	v2 =	vld [tilespmem:s29+$0xC8B0]  }
0x155: {  	v4 =	vld [tilespmem:s29+$0xB0]  }
0x156: {  	[tilespmem:s29+$0x12C80] =	vst v0;
	v0 =	vadd.f32 v6, v1;
	v1 =	vld [tilespmem:s29+$0xC8C0]  }
0x157: {  	v6 =	vld [tilespmem:s29+$0xC0]  }
0x158: {  	[tilespmem:s29+$0x12C90] =	vst v0;
	v0 =	vadd.f32 v5, v3;
	v3 =	vld [tilespmem:s29+$0xC8D0]  }
0x159: {  	v5 =	vld [tilespmem:s29+$0xD0]  }
0x15a: {  	[tilespmem:s29+$0x12CA0] =	vst v0;
	v0 =	vadd.f32 v4, v2;
	v2 =	vld [tilespmem:s29+$0xC8E0]  }
0x15b: {  	v4 =	vld [tilespmem:s29+$0xE0]  }
0x15c: {  	[tilespmem:s29+$0x12CB0] =	vst v0;
	v0 =	vadd.f32 v6, v1;
	v1 =	vld [tilespmem:s29+$0xC8F0]  }
0x15d: {  	v6 =	vld [tilespmem:s29+$0xF0]  }
0x15e: {  	[tilespmem:s29+$0x12CC0] =	vst v0;
	v0 =	vadd.f32 v5, v3;
	v3 =	vld [tilespmem:s29+$0xC900]  }
0x15f: {  	v5 =	vld [tilespmem:s29+$0x100]  }
0x160: {  	[tilespmem:s29+$0x12CD0] =	vst v0;
	v0 =	vadd.f32 v4, v2;
	v2 =	vld [tilespmem:s29+$0xC910]  }
0x161: {  	v4 =	vld [tilespmem:s29+$0x110]  }
0x162: {  	[tilespmem:s29+$0x12CE0] =	vst v0;
	v0 =	vadd.f32 v6, v1;
	v1 =	vld [tilespmem:s29+$0xC920]  }
0x163: {  	v6 =	vld [tilespmem:s29+$0x120]  }
0x164: {  	[tilespmem:s29+$0x12CF0] =	vst v0;
	v0 =	vadd.f32 v5, v3;
	v3 =	vld [tilespmem:s29+$0xC930]  }
0x165: {  	v5 =	vld [tilespmem:s29+$0x130]  }
0x166: {  	[tilespmem:s29+$0x12D00] =	vst v0;
	v0 =	vadd.f32 v4, v2;
	v2 =	vld [tilespmem:s29+$0xC940]  }
0x167: {  	v4 =	vld [tilespmem:s29+$0x140]  }
0x168: {  	[tilespmem:s29+$0x12D10] =	vst v0;
	v0 =	vadd.f32 v6, v1;
	v1 =	vld [tilespmem:s29+$0xC950]  }
0x169: {  	v6 =	vld [tilespmem:s29+$0x150]  }
0x16a: {  	[tilespmem:s29+$0x12D20] =	vst v0;
	v0 =	vadd.f32 v5, v3;
	v3 =	vld [tilespmem:s29+$0xC960]  }
0x16b: {  	v5 =	vld [tilespmem:s29+$0x160]  }
0x16c: {  	[tilespmem:s29+$0x12D30] =	vst v0;
	v0 =	vadd.f32 v4, v2;
	v2 =	vld [tilespmem:s29+$0xC970]  }
0x16d: {  	v4 =	vld [tilespmem:s29+$0x170]  }
0x16e: {  	[tilespmem:s29+$0x12D40] =	vst v0;
	v0 =	vadd.f32 v6, v1;
	v1 =	vld [tilespmem:s29+$0xC980]  }
0x16f: {  	v6 =	vld [tilespmem:s29+$0x180]  }
0x170: {  	[tilespmem:s29+$0x12D50] =	vst v0;
	v0 =	vadd.f32 v5, v3;
	v3 =	vld [tilespmem:s29+$0xC990]  }
0x171: {  	v5 =	vld [tilespmem:s29+$0x190]  }
0x172: {  	[tilespmem:s29+$0x12D60] =	vst v0;
	v0 =	vadd.f32 v4, v2;
	v2 =	vld [tilespmem:s29+$0xC9A0]  }
0x173: {  	v4 =	vld [tilespmem:s29+$0x1A0]  }
0x174: {  	[tilespmem:s29+$0x12D70] =	vst v0;
	v0 =	vadd.f32 v6, v1;
	v1 =	vld [tilespmem:s29+$0xC9B0]  }
0x175: {  	v6 =	vld [tilespmem:s29+$0x1B0]  }
0x176: {  	[tilespmem:s29+$0x12D80] =	vst v0;
	v0 =	vadd.f32 v5, v3;
	v5 =	vld [tilespmem:s29+$0xC9C0]  }
0x177: {  	v7 =	vld [tilespmem:s29+$0x1C0]  }
.Ltmp1:
0x178: {  	[tilespmem:s29+$0x12D90] =	vst v0;
	v0 =	vadd.f32 v4, v2;
	v2 =	vld [tilespmem:s29+$0xC9D0];
	(pc) =	sbr.rel @p0 .LBB2_5-.Ltmp1, $4  }
0x179: {  	v3 =	vld [tilespmem:s29+$0x1D0]  }
0x17a: {  	[tilespmem:s29+$0x12DA0] =	vst v0;
	v6 =	vadd.f32 v6, v1;
	v0 =	vld [tilespmem:s29+$0xC9E0]  }
0x17b: {  	s0 =	sshra.s32 s1, $0x2;
	v4 =	vld [tilespmem:s29+$0x1E0]  }
0x17c: {  	s1 =	sadd.s32 $0x800, s1;
	v1 =	vld [tilespmem:s0+$0xC9F0];
	[tilespmem:s29+$0x12DB0] =	vst v6;
	v5 =	vadd.f32 v7, v5  }
0x17d: {  	v6 =	vld [tilespmem:s0+$0x1F0]  }
0x17e: {  	v7 =	vld [tilespmem:s0+$0xC800];
	[tilespmem:s29+$0x12DC0] =	vst v5;
	v2 =	vadd.f32 v3, v2  }
0x17f: {  	v35 =	vld [tilespmem:s0+$0x0]  }
0x180: {  	v5 =	vld [tilespmem:s0+$0xC810];
	[tilespmem:s29+$0x12DD0] =	vst v2;
	v0 =	vadd.f32 v4, v0  }
0x181: {  	v2 =	vld [tilespmem:s0+$0x10]  }
0x182: {  	v36 =	vld [tilespmem:s0+$0xC820];
	[tilespmem:s29+$0x12DE0] =	vst v0  }
0x183: {  	v38 =	vld [tilespmem:s0+$0x20]  }
0x184: {  	v39 =	vld [tilespmem:s0+$0xC830]  }
0x185: {  	v40 =	vld [tilespmem:s0+$0x30]  }
0x186: {  	v41 =	vld [tilespmem:s0+$0xC840]  }
0x187: {  	v42 =	vld [tilespmem:s0+$0x40]  }
0x188: {  	v43 =	vld [tilespmem:s0+$0xC850]  }
0x189: {  	v44 =	vld [tilespmem:s0+$0x50]  }
0x18a: {  	v45 =	vld [tilespmem:s0+$0xC860]  }
0x18b: {  	v46 =	vld [tilespmem:s0+$0x60]  }
0x18c: {  	v48 =	vld [tilespmem:s0+$0xC870]  }
0x18d: {  	v49 =	vld [tilespmem:s0+$0x70]  }
0x18e: {  	v51 =	vld [tilespmem:s0+$0xC880]  }
0x18f: {  	v52 =	vld [tilespmem:s0+$0x80]  }
0x190: {  	v54 =	vld [tilespmem:s0+$0xC890]  }
0x191: {  	v55 =	vld [tilespmem:s0+$0x90]  }
0x192: {  	v57 =	vld [tilespmem:s0+$0xC8A0]  }
0x193: {  	v58 =	vld [tilespmem:s0+$0xA0]  }
0x194: {  	v60 =	vld [tilespmem:s0+$0xC8B0]  }
0x195: {  	v61 =	vld [tilespmem:s0+$0xB0]  }
0x196: {  	v63 =	vld [tilespmem:s0+$0xC8C0]  }
0x197: {  	v9 =	vld [tilespmem:s0+$0xC0]  }
0x198: {  	v11 =	vld [tilespmem:s0+$0xC8D0]  }
0x199: {  	v12 =	vld [tilespmem:s0+$0xD0]  }
0x19a: {  	v14 =	vld [tilespmem:s0+$0xC8E0]  }
0x19b: {  	v15 =	vld [tilespmem:s0+$0xE0]  }
0x19c: {  	v17 =	vld [tilespmem:s0+$0xC8F0]  }
0x19d: {  	v18 =	vld [tilespmem:s0+$0xF0]  }
0x19e: {  	v20 =	vld [tilespmem:s0+$0xC900]  }
0x19f: {  	v21 =	vld [tilespmem:s0+$0x100]  }
0x1a0: {  	v23 =	vld [tilespmem:s0+$0xC910]  }
0x1a1: {  	v37 =	vadd.f32 v6, v1;
	v24 =	vld [tilespmem:s0+$0x110]  }
0x1a2: {  	v26 =	vld [tilespmem:s0+$0xC920];
	v3 =	vadd.f32 v35, v7  }
0x1a3: {  	v27 =	vld [tilespmem:s0+$0x120];
	[tilespmem:s0+$0x12DF0] =	vst v37;
	v2 =	vadd.f32 v2, v5  }
0x1a4: {  	v29 =	vld [tilespmem:s0+$0xC930];
	[tilespmem:s0+$0x12C00] =	vst v3;
	v1 =	vadd.f32 v38, v36  }
0x1a5: {  	v30 =	vld [tilespmem:s0+$0x130];
	[tilespmem:s0+$0x12C10] =	vst v2;
	v0 =	vadd.f32 v40, v39  }
0x1a6: {  	v32 =	vld [tilespmem:s0+$0xC940];
	v47 =	vadd.f32 v42, v41;
	[tilespmem:s0+$0x12C20] =	vst v1  }
0x1a7: {  	v33 =	vld [tilespmem:s0+$0x140];
	v50 =	vadd.f32 v44, v43;
	[tilespmem:s0+$0x12C30] =	vst v0  }
0x1a8: {  	v35 =	vld [tilespmem:s0+$0xC950];
	v53 =	vadd.f32 v46, v45;
	[tilespmem:s0+$0x12C40] =	vst v47  }
0x1a9: {  	v56 =	vadd.f32 v49, v48;
	v36 =	vld [tilespmem:s0+$0x150];
	[tilespmem:s0+$0x12C50] =	vst v50  }
0x1aa: {  	v59 =	vadd.f32 v52, v51;
	v38 =	vld [tilespmem:s0+$0xC960];
	[tilespmem:s0+$0x12C60] =	vst v53  }
0x1ab: {  	v62 =	vadd.f32 v55, v54;
	v39 =	vld [tilespmem:s0+$0x160];
	[tilespmem:s0+$0x12C70] =	vst v56  }
0x1ac: {  	v10 =	vadd.f32 v58, v57;
	v41 =	vld [tilespmem:s0+$0xC970];
	[tilespmem:s0+$0x12C80] =	vst v59  }
0x1ad: {  	v13 =	vadd.f32 v61, v60;
	v42 =	vld [tilespmem:s0+$0x170];
	[tilespmem:s0+$0x12C90] =	vst v62  }
0x1ae: {  	v16 =	vadd.f32 v9, v63;
	v44 =	vld [tilespmem:s0+$0xC980];
	[tilespmem:s0+$0x12CA0] =	vst v10  }
0x1af: {  	v19 =	vadd.f32 v12, v11;
	v45 =	vld [tilespmem:s0+$0x180];
	[tilespmem:s0+$0x12CB0] =	vst v13  }
0x1b0: {  	v22 =	vadd.f32 v15, v14;
	v48 =	vld [tilespmem:s0+$0x190];
	[tilespmem:s0+$0x12CC0] =	vst v16  }
0x1b1: {  	v25 =	vadd.f32 v18, v17;
	v51 =	vld [tilespmem:s0+$0x1A0];
	[tilespmem:s0+$0x12CD0] =	vst v19  }
0x1b2: {  	v28 =	vadd.f32 v21, v20;
	v54 =	vld [tilespmem:s0+$0x1B0];
	[tilespmem:s0+$0x12CE0] =	vst v22  }
0x1b3: {  	v31 =	vadd.f32 v24, v23;
	v57 =	vld [tilespmem:s0+$0x1C0];
	[tilespmem:s0+$0x12CF0] =	vst v25  }
0x1b4: {  	v34 =	vadd.f32 v27, v26;
	v60 =	vld [tilespmem:s0+$0x1D0];
	[tilespmem:s0+$0x12D00] =	vst v28  }
0x1b5: {  	v37 =	vadd.f32 v30, v29;
	v61 =	vld [tilespmem:s0+$0xC9E0];
	[tilespmem:s0+$0x12D10] =	vst v31  }
0x1b6: {  	v40 =	vadd.f32 v33, v32;
	[tilespmem:s0+$0x12D20] =	vst v34;
	v47 =	vld [tilespmem:s0+$0xC990]  }
0x1b7: {  	[tilespmem:s0+$0x12D30] =	vst v37;
	v50 =	vld [tilespmem:s0+$0xC9A0];
	v43 =	vadd.f32 v36, v35  }
0x1b8: {  	[tilespmem:s0+$0x12D40] =	vst v40;
	v53 =	vld [tilespmem:s0+$0xC9B0];
	v46 =	vadd.f32 v39, v38  }
0x1b9: {  	v56 =	vld [tilespmem:s0+$0xC9C0];
	v49 =	vadd.f32 v42, v41;
	[tilespmem:s0+$0x12D50] =	vst v43  }
0x1ba: {  	v59 =	vld [tilespmem:s0+$0xC9D0];
	v52 =	vadd.f32 v45, v44;
	[tilespmem:s0+$0x12D60] =	vst v46  }
0x1bb: {  	v62 =	vld [tilespmem:s0+$0x1E0];
	[tilespmem:s0+$0x12D70] =	vst v49;
	v55 =	vadd.f32 v48, v47  }
0x1bc: {  	[tilespmem:s0+$0x12D80] =	vst v52;
	v58 =	vadd.f32 v51, v50  }
0x1bd: {  	s28 =	sadd.s32 $0x1, s28;
	v1 =	vadd.f32 v54, v53;
	[tilespmem:s0+$0x12D90] =	vst v55  }
0x1be: {  	p0 =	sne.s32 s28, $0x40;
	v3 =	vadd.f32 v57, v56;
	[tilespmem:s0+$0x12DA0] =	vst v58  }
.Ltmp2:
0x1bf: {  	s1 =	sadd.s32 s3, s30;
	v63 =	vadd.f32 v60, v59;
	[tilespmem:s0+$0x12DB0] =	vst v1;
	(pc) =	sbr.rel @p0 .LBB2_2-.Ltmp2, $4  }
0x1c0: {  	s1 =	smul.u32 $0xC80, s1;
	v0 =	vadd.f32 v62, v61;
	[tilespmem:s0+$0x12DC0] =	vst v3  }
0x1c1: {  	[tilespmem:s0+$0x12DD0] =	vst v63  }
0x1c2: {  	s31 =	sadd.s32 s6, s1;
	[tilespmem:s0+$0x12DE0] =	vst v0  }
0x1c3: {  	[hbm4b:s31+s19] =	stream.strided.scatter [tilespmem:s23], [sflag:$0x4], $0x3200, s20, s19, $0x38;
	[tilespmem:$0x15E00] =	vst v63  }
0x1c4: {  	s26 =	sadd.s32 $0x1, s26  }
0x1c5: {  	_ =	swait.ge [sflag:s24], $0x3200;
	p0 =	sne.s32 s26, s8  }
.Ltmp3:
0x1c6: {  	[sflag:s24] =	ssyncset.done $0x0;
	(pc) =	sbr.rel @p0 .LBB2_1-.Ltmp3, $4  }
0x1c7: {  	[sflag:s24] =	ssyncadd.s32 $0xFFFFCE00  }
0x1c8: {  	_ =	swait.ge [sflag:s25], $0x3200  }
0x1c9: {  	[sflag:s25] =	ssyncset.done $0x0  }
0x1ca: {  	[sflag:s25] =	ssyncadd.s32 $0xFFFFCE00  }
0x1cb: {  	_ =	sfence.sel $0x180000  }
0x1cc: {  	[bflag:$0x0] =	sbarrier.arrive $0xFFFF  }
0x1cd: {  	_ =	strace $0x90000047  }
0x1ce: {  	s0 =	stileid.u32;
	[bflag:$0x2] =	sbarrier.arrive $0xFFFF  }
0x1cf: {  	p0 =	sne.s32 s0, $0x0;
	s0 =	rddreg [dreg:$0x1]  }
0x1d0: {  	s0 =	sadd.s32 @!p0 $0x100000, s0  }
0x1d1: {  	[sflag:s0] =	ssyncadd.tile.s32 @!p0 $0x1;
	_ =	shalt  }
.Lfunc_end2:
_tile_overlayer_lowered:
.L_overlay_start_2:
0x1d2: {  	(tag) =	ssettag $0x2  }
0x1d3: {  	s0 =	rddreg [dreg:$0x0];
	s2 =	stileid.u32  }
0x1d4: {  	s1 =	rddreg [dreg:$0x1];
	p0 =	sne.s32 s2, $0x0  }
0x1d5: {  	s3 =	rddreg [dreg:$0x2];
	[bflag:$0x3] =	sbarrier.arrive $0xFFFF;
	s2 =	simm.s32 @!p0 $0x1C05  }
0x1d6: {  	[timem:s3], [sflag:s2] =	dma.local @!p0 [hbm:s0], s1  }
0x1d7: {  	s0 =	simm.s32 @!p0 $0x5  }
0x1d8: {  	_ =	swait.ge @!p0 [sflag:s0], s1  }
0x1d9: {  	s1 =	ssub.s32 @!p0 $0x0, s1;
	[sflag:s0] =	ssyncset.done @!p0 $0x0  }
0x1da: {  	[sflag:s0] =	ssyncadd.s32 @!p0 s1  }
0x1db: {  	[bflag:$0x3] =	sbarrier.arrive $0xFFFF  }
0x1dc: {  	_ =	shalt  }

// kernel: sparse-core-data-format-call.cloned.1.call-start
scs
called_computation_lowered:
.L_overlay_start_0:
0x0: {  	s2 =	sld [smem:$0x3FD9]  }
0x1: {  	s3 =	sld [smem:$0x3FFE];
	_ =	sdelay $0x1  }
0x2: {  	s1 =	srdreg.scid  }
0x3: {  	s0 =	sand.u32 $0x1, s1  }
0x4: {  	s18 =	sshll.u32 s0, $0xA;
	s2 =	sadd.s32 s3, s2  }
0x5: {  	s2 =	sadd.s32 s2, s18  }
0x6: {  	[smem:$0x3FC6] =	sst s2  }
0x7: {  	_ = 	snop  }
0x8: {  	s2 =	sld [smem:$0x3FD0];
	(tm) =	ssettm $0x1  }
0x9: {  	s19 =	sld [smem:$0x3FFB];
	_ =	sdelay $0x3  }
0xa: {  	_ =	strace s19  }
0xb: {  	s3 =	sld [smem:$0x3FFC];
	_ =	sdelay $0x3  }
0xc: {  	_ =	strace s3  }
0xd: {  	s3 =	sld [smem:$0x3FFD];
	_ =	sdelay $0x3  }
0xe: {  	_ =	strace s3  }
0xf: {  	_ =	strace $0x8FFFFFFF  }
0x10: {  	s20 =	sld [smem:$0x3FDB];
	_ =	sdelay $0x1  }
0x11: {  	s4 =	simm.s32 $_scs_section_size  }
0x12: {  	s5 =	simm.s32 $_size__tile_overlayer_lowered;
	s6 =	simm.s32 $_tile_overlayer_lowered  }
0x13: {  	s23 =	simm.s32 $0x1BFF;
	s22 =	sshll.u32 s6, $0x1;
	s3 =	sadd.s32 s4, s20  }
0x14: {  	s7 =	simm.s32 $0x0;
	s21 =	sshll.u32 s5, $0x1;
	s5 =	sadd.s32 s22, s3  }
0x15: {  	[timem:s7], [sflag:s23] =	dma.local [hbm:s5], s21  }
0x16: {  	_ =	swait.ge [sflag:s23], s21  }
0x17: {  	s4 =	ssub.s32 $0x0, s21;
	[sflag:s23] =	ssyncset.done $0x0  }
0x18: {  	[sflag:s23] =	ssyncadd.s32 s4;
	_ =	sdelay $0x1  }
0x19: {  	s24 =	simm.s32 $0x1B8B  }
0x1a: {  	_ =	swait.ge [sflag:s24], $0x1  }
0x1b: {  	[sflag:s24] =	ssyncset.done $0x0  }
0x1c: {  	s26 =	simm.s32 $0x1B8E;
	s25 =	sld [smem:$0x3FFE];
	[sflag:s24] =	ssyncadd.s32 $0xFFFFFFFF  }
0x1d: {  	s27 =	simm.s32 $execute0_lowered;
	[smem:$0x3FD2] =	sst s26  }
0x1e: {  	s5 =	sshll.u32 s27, $0x1;
	_ =	strace $0x80000049;
	[dreg:$0x1] =	wrdreg $0xFFFFFFFF  }
0x1f: {  	s28 =	simm.s32 $_size_execute0_lowered;
	s3 =	sadd.s32 s3, s5;
	[dreg:$0x0] =	wrdreg $0x0  }
0x20: {  	s5 =	sshll.u32 s28, $0x1;
	[dreg:$0x2] =	wrdreg s3  }
0x21: {  	[dreg:$0x3] =	wrdreg s5  }
0x22: {  	[dreg:$0x4] =	wrdreg $0xC0  }
0x23: {  	_ =	task [dreg:s7], $0x5FFFF  }
0x24: {  	[dreg:$0x1] =	wrdreg $0xFFFFFFFF  }
0x25: {  	[dreg:$0x0] =	wrdreg $0x60  }
0x26: {  	[dreg:$0x2] =	wrdreg s25  }
0x27: {  	[dreg:$0x3] =	wrdreg s2  }
0x28: {  	[dreg:$0x4] =	wrdreg $0x9  }
0x29: {  	_ =	task.clear_ibuf [dreg:s7], $0x5FFFF;
	_ =	strace $0x90000049  }
0x2a: {  	s29 =	simm.s32 $0x9;
	_ =	strace $0x8000004B  }
0x2b: {  	_ =	swait.ge [sflag:s29], $0x1  }
0x2c: {  	[sflag:s29] =	ssyncadd.s32 $0xFFFFFFFF  }
0x2d: {  	_ =	strace $0x9000004B  }
0x2e: {  	_ =	sfence  }
0x2f: {  	s30 =	sld [smem:$0x0];
	_ =	sdelay $0x2  }
0x30: {  	s31 =	sshll.u32 s1, $0xD;
	s1 =	sshrl.u32 s1, $0x2  }
0x31: {  	s3 =	sand.u32 $0x4000, s31;
	s1 =	sadd.s32 s1, s30  }
0x32: {  	s0 =	sor.u32 s3, s0;
	s1 =	sshll.u32 s1, $0x11  }
0x33: {  	s0 =	sor.u32 s1, s0  }
0x34: {  	s0 =	sadd.s32 $0x8F2B, s0  }
0x35: {  	[sflag:s0] =	ssyncadd.remote.s32 $0x1  }
0x36: {  	_ =	sfence.sel $0xFFFF  }
0x37: {  	[dreg:$0x0] =	wrdreg $0xFFFFFFFF;
	(pc) =	sbr.abs _section_cstart, $3  }
0x38: {  	[dreg:$0x1] =	wrdreg $0xFFFFFFFF  }
0x39: {  	_ =	task.clear_ibuf [dreg:s7], $0x2FFFF;
	_ =	strace $0x9FFFFFFF  }
0x3a: {  	(tm) =	ssettm $0x7FFFFFFF  }
0x3b: {  	_ =	shalt  }
tec
execute0_lowered:
.L_overlay_start_1:
0x0: {  	(tag) =	ssettag $0x1  }
0x1: {  	s0 =	srdreg.scid  }
0x2: {  	s1 =	sshll.u32 s0, $0x4  }
0x3: {  	s0 =	stileid.u32;
	s1 =	sand.u32 $0x10, s1  }
0x4: {  	s1 =	sor.u32 s0, s1  }
0x5: {  	s6 =	rddreg [dreg:$0x0];
	s4 =	simm.s32 $0x1;
	s2 =	sshll.u32 s1, $0x7  }
0x6: {  	s7 =	simm.s32 $0x2;
	s12 =	simm.s32 $0x0;
	s1 =	ssub.s32 $0x1000, s2  }
0x7: {  	s8 =	simm.s32 $0x8000;
	s13 =	simm.s32 $0x0;
	s3 =	sand.u32 $0xF80, s1  }
0x8: {  	s9 =	simm.s32 $0x0;
	s5 =	sshrl.u32 s1, $0xC;
	p0 =	sne.s32 s3, $0x0  }
.Ltmp0:
0x9: {  	s1 =	rddreg [dreg:$0x2];
	s4 =	simm.s32 @!p0 $0x0;
	(pc) =	sbr.rel .LBB1_1-.Ltmp0, $4  }
0xa: {  	s11 =	simm.s32 $0x0;
	s3 =	rddreg [dreg:$0x1];
	s5 =	sadd.s32 s4, s5  }
0xb: {  	_ =	strace $0x8000004A;
	s4 =	simm.s32 $0x1;
	s5 =	smul.u32 $0xC8, s5  }
0xc: {  	s6 =	sadd.s32 $0xDD600, s6;
	s10 =	smov.u32 s2;
	[sflag:s4] =	ssyncpa.u1 $0x0  }
0xd: {  	p0 =	por $0x0, $0x0;
	[sflag:s7] =	ssyncpa.u1 $0x0;
	s7 =	sor.u32 $0x1, s5  }
.LBB1_4:
0xe: {  	s16 =	sshll.u32 s13, $0x3;
	s17 =	sand.u32 $0x78, s13  }
0xf: {  	s30 =	sand.u32 $0x7E00, s13;
	s12 =	sshll.u32 s12, $0xF;
	s16 =	sand.u32 $0xC00, s16  }
0x10: {  	[tilespmem:s15+$0x810 ss:$0x81] =	vst.msk $0xffff, v2;
	s31 =	sand.u32 $0x7, s13;
	s16 =	sor.u32 s17, s16;
	s17 =	sadd.s32 s3, s30  }
0x11: {  	[tilespmem:s15+$0x1020 ss:$0x81] =	vst.msk $0xffff, v0;
	s13 =	sshll.u32 s31, $0x12;
	s12 =	sadd.s32 s12, s17;
	s16 =	sshrl.u32 s16, $0x3  }
0x12: {  	[tilespmem:s15+$0x0 ss:$0x81] =	vst.msk $0xffff, v1;
	s13 =	sor.u32 $0x400, s13;
	s12 =	sadd.s32 s16, s12  }
0x13: {  	[hbm4b:s12+s13] =	stream.strided.scatter [tilespmem:s14], [sflag:$0x2], $0x2000, s8, s13, $0x20;
	[tilespmem:$0x8080] =	vst v63  }
.LBB1_5:
0x14: {  	s14 =	sadd.s32 $0x1, s9  }
0x15: {  	s12 =	sadd.s32 $0x1000, s10;
	s16 =	smov.u32 s10;
	p2 =	sgt.s32 s14, $0xC7  }
0x16: {  	s16 =	smov.u32 @p2 s12  }
0x17: {  	s14 =	simm.s32 @p2 $0x0;
	p2 =	sgt.s32 s16, $0xFFF  }
0x18: {  	s16 =	smov.u32 @p2 s2;
	p2 =	sne.s32 s11, s7  }
.Ltmp1:
0x19: {  	p1 =	slt.u32 s11, $0x2;
	(pc) =	sbr.rel @!p2 .LBB1_6-.Ltmp1, $4  }
0x1a: {  	s15 =	simm.s32 @!p1 $0x2  }
0x1b: {  	s13 =	smov.u32 s10;
	p0 =	por !p0, !p0;
	_ =	swait.ge @!p1 [sflag:s15], $0x2000  }
0x1c: {  	s12 =	smov.u32 s9;
	[sflag:s15] =	ssyncset.done @!p1 $0x0;
	s9 =	smov.u32 s14  }
0x1d: {  	s11 =	sadd.s32 $0x1, s11;
	[sflag:s15] =	ssyncadd.s32 @!p1 $0xFFFFE000;
	s10 =	smov.u32 s16  }
.LBB1_1:
0x1e: {  	p1 =	sge.u32 s11, s5  }
0x1f: {  	s14 =	sand.u32 @!p1 $0x1FFFFFF, s9  }
0x20: {  	s15 =	smulhi.u32 @!p1 $0x147AE15, s14;
	_ =	sdelay $0x1  }
0x21: {  	s15 =	smul.u32 @!p1 $0xC8, s15  }
0x22: {  	s16 =	sxor.u32 @!p1 $0xFFFFFFFF, s11;
	s17 =	smul.u32 @!p1 $0xC80, s10  }
0x23: {  	s31 =	sadd.s32 $0xFFFFFFFF, s11;
	s16 =	sshll.u32 @!p1 s16, $0xD;
	s14 =	ssub.s32 @!p1 s14, s15  }
0x24: {  	s15 =	sand.u32 @!p1 $0x2000, s16;
	s16 =	sadd.s32 @!p1 s6, s17;
	s14 =	sshll.u32 @!p1 s14, $0x4  }
0x25: {  	s17 =	simm.s32 @!p1 $0x6400;
	s14 =	sadd.s32 @!p1 s14, s16;
	s16 =	simm.s32 @!p1 $0x40  }
0x26: {  	[tilespmem:s15], [sflag:$0x1] =	stream.strided.gather @!p1 [hbm4b:s14+s16], $0x2000, s17, s16, $0x38;
	[tilespmem:$0x8080] =	vst v63  }
0x27: {  	p1 =	sge.u32 s31, s5  }
.Ltmp2:
0x28: {  	_ = 	snop;
	(pc) =	sbr.rel @p1 .LBB1_5-.Ltmp2, $1  }
0x29: {  	_ =	sdelay $0x3  }
0x2a: {  	s14 =	simm.s32 $0x1  }
0x2b: {  	_ =	swait.ge [sflag:s4], $0x2000;
	s14 =	simm.s32 @!p0 $0x0  }
0x2c: {  	[sflag:s4] =	ssyncset.done $0x0;
	s15 =	sshll.u32 s14, $0xD  }
0x2d: {  	[sflag:s4] =	ssyncadd.s32 $0xFFFFE000;
	s18 =	sor.u32 $0x20, s15  }
0x2e: {  	s14 =	smul.u32 $0x8100, s14;
	v3 =	vld [tilespmem:s18+$0x10]  }
0x2f: {  	s30 =	sand.u32 $0x1, s11;
	v2 =	vld [tilespmem:s18+$0xFFFFFFF0]  }
0x30: {  	s15 =	smul.u32 $0x8100, s30;
	s14 =	sshrl.u32 s14, $0x2;
	v0 =	vld [tilespmem:s18+$0x0]  }
0x31: {  	v1 =	vld [tilespmem:s18+$0xFFFFFFE0];
	s16 =	sor.u32 $0x4000, s14  }
0x32: {  	s31 =	sshrl.u32 s15, $0x2;
	s15 =	sadd.s32 $0x0, s16  }
0x33: {  	s17 =	simm.s32 $0x4;
	s18 =	sadd.s32 $0x40, s18;
	s14 =	sor.u32 $0x4000, s31;
	[tilespmem:s15+$0x1830 ss:$0x81] =	vst.msk $0xffff, v3  }
.LBB1_3:
0x34: {  	v3 =	vld [tilespmem:s18+$0x10];
	p1 =	sne.s32 s17, $0x1FC;
	[tilespmem:s15+$0x810 ss:$0x81] =	vst.msk $0xffff, v2;
	s19 =	smov.u32 s17;
	s17 =	sadd.s32 $0x4, s17  }
.Ltmp3:
0x35: {  	v2 =	vld [tilespmem:s18+$0xFFFFFFF0];
	[tilespmem:s15+$0x1020 ss:$0x81] =	vst.msk $0xffff, v0;
	(pc) =	sbr.rel @p1 .LBB1_3-.Ltmp3, $4  }
0x36: {  	v0 =	vld [tilespmem:s18+$0x0];
	[tilespmem:s15+$0x0 ss:$0x81] =	vst.msk $0xffff, v1  }
0x37: {  	s15 =	sshra.s32 s19, $0x2;
	v1 =	vld [tilespmem:s18+$0xFFFFFFE0]  }
0x38: {  	s15 =	sadd.s32 s15, s16  }
0x39: {  	s18 =	sadd.s32 $0x40, s18;
	[tilespmem:s15+$0x1830 ss:$0x81] =	vst.msk $0xffff, v3  }
.Ltmp4:
0x3a: {  	_ = 	snop;
	(pc) =	sbr.rel .LBB1_4-.Ltmp4, $1  }
0x3b: {  	_ =	sdelay $0x3  }
.LBB1_6:
0x3c: {  	_ =	sfence.sel $0x180000  }
0x3d: {  	s2 =	simm.s32 $0x1;
	[bflag:$0x0] =	sbarrier.arrive $0xFFFF  }
0x3e: {  	s31 =	simm.s32 $0x2;
	[sflag:s2] =	ssyncpa.u1 $0x1  }
0x3f: {  	[sflag:s31] =	ssyncpa.u1 $0x1  }
0x40: {  	p0 =	sne.s32 s0, $0x0;
	_ =	strace $0x9000004A  }
0x41: {  	s0 =	sadd.s32 @!p0 $0x100000, s1;
	[bflag:$0x2] =	sbarrier.arrive $0xFFFF  }
0x42: {  	[sflag:s0] =	ssyncadd.tile.s32 @!p0 $0x1;
	_ =	shalt  }
.Lfunc_end1:
_tile_overlayer_lowered:
.L_overlay_start_2:
0x43: {  	(tag) =	ssettag $0x2  }
0x44: {  	s0 =	rddreg [dreg:$0x0];
	s2 =	stileid.u32  }
0x45: {  	s1 =	rddreg [dreg:$0x1];
	p0 =	sne.s32 s2, $0x0  }
0x46: {  	s3 =	rddreg [dreg:$0x2];
	[bflag:$0x3] =	sbarrier.arrive $0xFFFF;
	s2 =	simm.s32 @!p0 $0x1C01  }
0x47: {  	[timem:s3], [sflag:s2] =	dma.local @!p0 [hbm:s0], s1  }
0x48: {  	s0 =	simm.s32 @!p0 $0x1  }
0x49: {  	_ =	swait.ge @!p0 [sflag:s0], s1  }
0x4a: {  	s1 =	ssub.s32 @!p0 $0x0, s1;
	[sflag:s0] =	ssyncset.done @!p0 $0x0  }
0x4b: {  	[sflag:s0] =	ssyncadd.s32 @!p0 s1  }
0x4c: {  	[bflag:$0x3] =	sbarrier.arrive $0xFFFF  }
0x4d: {  	_ =	shalt  }

</sc_bundles>
